<compile_context>
chip_gen: v7x
topology: tpu7x:2x2x1
jax: 0.10.2.dev20260603
libtpu: 0.0.44.dev20260713+nightly
codegen_flags: <defaults>
</compile_context>

<pallas_src>
import functools

import jax
import jax.numpy as jnp
from jax import lax
from jax.experimental import pallas as pl
from jax.experimental.pallas import tpu as pltpu
from jax.experimental.pallas import tpu_sc as plsc

B = 64
C = 512
H = 14
W = 14
K = 3
N_FIND = 64
N_ROOT = 16
N_ANS = 2000
V = 5000
L = 20
D = 256
HID = 512
HW = H * W

BB = 8
TN = 2000
NT = 1


def _find_body(feat_ref, ohf_ref, wf_ref, bf_ref, maps_ref, att_ref):
    wf = wf_ref[...]
    bf = bf_ref[...]
    for s in range(BB):
        oh = ohf_ref[s]
        wk = jnp.dot(oh, wf, preferred_element_type=jnp.float32)
        bk = jnp.dot(oh, bf, preferred_element_type=jnp.float32)
        feat = feat_ref[s]
        a = jnp.dot(wk, feat, preferred_element_type=jnp.float32) + bk
        a = jnp.maximum(a, 0.0)
        m = a[0:1] * a[1:2] * a[2:3]
        maps_ref[s, :] = m[0]
        att_ref[s, :] = jnp.sum(feat * m, axis=1)


def _find_call(feat, ohf, w_find, b_find2d):
    return pl.pallas_call(
        _find_body,
        grid=(B // BB,),
        in_specs=[
            pl.BlockSpec((BB, C, HW), lambda i: (i, 0, 0)),
            pl.BlockSpec((BB, K, N_FIND), lambda i: (i, 0, 0)),
            pl.BlockSpec((N_FIND, C), lambda i: (0, 0)),
            pl.BlockSpec((N_FIND, 1), lambda i: (0, 0)),
        ],
        out_specs=[
            pl.BlockSpec((BB, HW), lambda i: (i, 0)),
            pl.BlockSpec((BB, C), lambda i: (i, 0)),
        ],
        out_shape=[
            jax.ShapeDtypeStruct((B, HW), jnp.float32),
            jax.ShapeDtypeStruct((B, C), jnp.float32),
        ],
        compiler_params=pltpu.CompilerParams(
            dimension_semantics=("arbitrary",)),
    )(feat, ohf, w_find, b_find2d)


def _root_body(maps_ref, att_ref, ri_ref, ys_ref, w1_ref, b1_ref,
               w2t_ref, wdt_ref, outt_ref):
    e = pl.program_id(0)
    sel = (ri_ref[...] == e).astype(jnp.float32)
    ys = ys_ref[...]
    sy = sel * ys
    sn = sel * (1.0 - ys)
    maps = maps_ref[...] * sel
    h1 = jnp.dot(maps, w1_ref[0], preferred_element_type=jnp.float32)
    h1 = jnp.maximum(h1 + b1_ref[0], 0.0) * sy
    h1t = h1.T.astype(jnp.bfloat16)
    attt = (att_ref[...] * sn).T.astype(jnp.bfloat16)

    @pl.when(e == 0)
    def _():
        outt_ref[...] = jnp.zeros_like(outt_ref)

    outt_ref[...] += (
        jnp.dot(w2t_ref[...].astype(jnp.bfloat16), h1t,
                preferred_element_type=jnp.float32)
        + jnp.dot(wdt_ref[...].astype(jnp.bfloat16), attt,
                  preferred_element_type=jnp.float32))


def _root_call(maps, att, ri, ys, w1, b1, w2t, wdt):
    return pl.pallas_call(
        _root_body,
        grid=(N_ROOT,),
        in_specs=[
            pl.BlockSpec((B, HW), lambda e: (0, 0)),
            pl.BlockSpec((B, C), lambda e: (0, 0)),
            pl.BlockSpec((B, 1), lambda e: (0, 0)),
            pl.BlockSpec((B, 1), lambda e: (0, 0)),
            pl.BlockSpec((1, HW, HID), lambda e: (e, 0, 0)),
            pl.BlockSpec((1, 1, HID), lambda e: (e, 0, 0)),
            pl.BlockSpec((N_ANS, HID), lambda e: (e, 0)),
            pl.BlockSpec((N_ANS, C), lambda e: (e, 0)),
        ],
        out_specs=pl.BlockSpec((N_ANS, B), lambda e: (0, 0)),
        out_shape=jax.ShapeDtypeStruct((N_ANS, B), jnp.float32),
        compiler_params=pltpu.CompilerParams(
            dimension_semantics=("arbitrary",)),
    )(maps, att, ri, ys, w1, b1, w2t, wdt)


def _lstm_body(embt_ref, wi_ref, wh_ref, bl_ref, idx_ref, wout_ref, bout_ref,
               rlt_ref, ri_ref, ys_ref, b2_ref, bd_ref, out_ref, xw_ref):
    xw_ref[...] = jnp.dot(embt_ref[...], wi_ref[...],
                          preferred_element_type=jnp.float32)
    wh = wh_ref[...]
    bl = bl_ref[...]
    idx = idx_ref[...]

    def step(t, carry):
        h, c, hf = carry
        z = xw_ref[pl.ds(t * B, B), :] + jnp.dot(
            h, wh, preferred_element_type=jnp.float32) + bl
        i = jax.nn.sigmoid(z[:, :D])
        f = jax.nn.sigmoid(z[:, D:2 * D])
        g = jnp.tanh(z[:, 2 * D:3 * D])
        o = jax.nn.sigmoid(z[:, 3 * D:])
        c = f * c + i * g
        h = o * jnp.tanh(c)
        hf = hf + (idx == t).astype(jnp.float32) * h
        return (h, c, hf)

    h0 = jnp.zeros((B, D), jnp.float32)
    _, _, hf = lax.fori_loop(0, L, step, (h0, h0, h0))
    el = jnp.dot(hf, wout_ref[...], preferred_element_type=jnp.float32)
    el = el + bout_ref[...]
    pe = jnp.exp(el - jnp.max(el, axis=1, keepdims=True))
    pe = pe / jnp.sum(pe, axis=1, keepdims=True)
    oh = (ri_ref[...] == lax.broadcasted_iota(jnp.int32, (B, N_ROOT), 1)
          ).astype(jnp.float32)
    ys = ys_ref[...]
    bias = (jnp.dot(oh * ys, b2_ref[...], preferred_element_type=jnp.float32)
            + jnp.dot(oh * (1.0 - ys), bd_ref[...],
                      preferred_element_type=jnp.float32))
    rl = rlt_ref[...].T + bias
    pr = jnp.exp(rl - jnp.max(rl, axis=1, keepdims=True))
    pr = pr / jnp.sum(pr, axis=1, keepdims=True)
    out_ref[...] = jnp.sqrt(pe * pr)


def _lstm_call(embt, wi, wh, bl, idx, wout, bout, rlt, ri, ys, b2, bd):
    args = (embt, wi, wh, bl, idx, wout, bout, rlt, ri, ys, b2, bd)
    return pl.pallas_call(
        _lstm_body,
        in_specs=[pl.BlockSpec(x.shape, functools.partial(lambda n: (0,) * n,
                                                          x.ndim))
                  for x in args],
        out_specs=pl.BlockSpec((B, N_ANS), lambda: (0, 0)),
        out_shape=jax.ShapeDtypeStruct((B, N_ANS), jnp.float32),
        scratch_shapes=[pltpu.VMEM((L * B, 4 * D), jnp.float32)],
    )(*args)


def _emb_gather(embed, qidx_flat):
    info = plsc.get_sparse_core_info()
    nw = info.num_cores * info.num_subcores
    bpw = (B * L) // nw
    nc = info.num_cores
    mesh = plsc.VectorSubcoreMesh(core_axis_name="c", subcore_axis_name="s")

    @functools.partial(
        pl.kernel, mesh=mesh,
        out_type=jax.ShapeDtypeStruct((B * L, D), jnp.float32),
        scratch_types=[
            pltpu.VMEM((bpw,), jnp.int32),
            pltpu.VMEM((bpw, D), jnp.float32),
            pltpu.SemaphoreType.DMA,
        ],
    )
    def k(table_hbm, idx_hbm, out_hbm, idx_v, rows_v, sem):
        wid = lax.axis_index("s") * nc + lax.axis_index("c")
        base = wid * bpw
        pltpu.sync_copy(idx_hbm.at[pl.ds(base, bpw)], idx_v)
        pltpu.async_copy(table_hbm.at[idx_v], rows_v, sem).wait()
        pltpu.sync_copy(rows_v, out_hbm.at[pl.ds(base, bpw)])

    return k(embed, qidx_flat)


def kernel(features, question, length, yesno, root_inst, find_inst,
           W_find, b_find, W_meas1, b_meas1, W_meas2, b_meas2,
           W_desc, b_desc, embed, Wi, Wh, b_lstm, W_out, b_out):
    feat = features.reshape(B, C, HW)
    ohf = (find_inst[:, :, None]
           == jnp.arange(N_FIND, dtype=find_inst.dtype)).astype(jnp.float32)
    maps, att = _find_call(feat, ohf, W_find, b_find.reshape(N_FIND, 1))

    ri = root_inst.astype(jnp.int32).reshape(B, 1)
    ys = yesno.astype(jnp.float32).reshape(B, 1)
    w2t = jnp.transpose(W_meas2, (0, 2, 1)).reshape(N_ROOT * N_ANS, HID)
    wdt = jnp.transpose(W_desc, (0, 2, 1)).reshape(N_ROOT * N_ANS, C)
    rlt = _root_call(maps, att, ri, ys, W_meas1,
                     b_meas1.reshape(N_ROOT, 1, HID), w2t, wdt)

    emb = _emb_gather(embed, question.reshape(-1).astype(jnp.int32))
    embt = emb.reshape(B, L, D).transpose(1, 0, 2).reshape(L * B, D)
    idx = (jnp.clip(length, 1, L) - 1).astype(jnp.int32).reshape(B, 1)
    return _lstm_call(embt, Wi, Wh, b_lstm.reshape(1, 4 * D), idx,
                      W_out, b_out.reshape(1, N_ANS), rlt, ri, ys,
                      b_meas2, b_desc)

# --- scband reference (transcript-rebuilt; emitter-appended) ---
"""Pipeline reference for scband-nmn-1915555414394 (READ-ONLY COPY).

The authoritative reference and input builder live on the scoring server;
editing this copy changes nothing except your own understanding.
"""

import jax, jax.numpy as jnp
import numpy as np

B = 64; C = 512; H = 14; W = 14; K = 3
N_FIND = 64; N_ROOT = 16; N_ANS = 2000
V = 5000; L = 20; D = 256; HID = 512
HW = H * W


def setup_inputs(seed: int = 0) -> dict:
    key = jax.random.key(seed)
    ks = jax.random.split(key, 20)
    s = 0.05
    inp = {}
    inp['features'] = jax.random.normal(ks[0], (B, C, H, W), dtype=jnp.float32)
    inp['question'] = jax.random.randint(ks[1], (B, L), 0, V)
    inp['length'] = jax.random.randint(ks[2], (B,), 0, 20)
    inp['yesno'] = jax.random.randint(ks[3], (B,), 0, 2).astype(bool)
    inp['root_inst'] = jax.random.randint(ks[4], (B,), 0, N_ROOT)
    inp['find_inst'] = jax.random.randint(ks[5], (B, K), 0, N_FIND)
    # learned parameters
    inp['W_find'] = jax.random.normal(ks[6], (N_FIND, C), dtype=jnp.float32) * s
    inp['b_find'] = jnp.zeros((N_FIND,), dtype=jnp.float32)
    inp['W_meas1'] = jax.random.normal(ks[7], (N_ROOT, HW, HID), dtype=jnp.float32) * s
    inp['b_meas1'] = jnp.zeros((N_ROOT, HID), dtype=jnp.float32)
    inp['W_meas2'] = jax.random.normal(ks[8], (N_ROOT, HID, N_ANS), dtype=jnp.float32) * s
    inp['b_meas2'] = jnp.zeros((N_ROOT, N_ANS), dtype=jnp.float32)
    inp['W_desc'] = jax.random.normal(ks[9], (N_ROOT, C, N_ANS), dtype=jnp.float32) * s
    inp['b_desc'] = jnp.zeros((N_ROOT, N_ANS), dtype=jnp.float32)
    inp['embed'] = jax.random.normal(ks[10], (V, D), dtype=jnp.float32) * s
    inp['Wi'] = jax.random.normal(ks[11], (D, 4 * D), dtype=jnp.float32) * s
    inp['Wh'] = jax.random.normal(ks[12], (D, 4 * D), dtype=jnp.float32) * s
    inp['b_lstm'] = jnp.zeros((4 * D,), dtype=jnp.float32)
    inp['W_out'] = jax.random.normal(ks[13], (D, N_ANS), dtype=jnp.float32) * s
    inp['b_out'] = jnp.zeros((N_ANS,), dtype=jnp.float32)
    return inp


def _lstm(emb_lbd, Wi, Wh, b_lstm):
    # emb_lbd: [L, B, D]
    def step(carry, x):
        h, c = carry
        z = x @ Wi + h @ Wh + b_lstm
        i, f, g, o = jnp.split(z, 4, axis=-1)
        i = jax.nn.sigmoid(i); f = jax.nn.sigmoid(f); o = jax.nn.sigmoid(o)
        g = jnp.tanh(g)
        c = f * c + i * g
        h = o * jnp.tanh(c)
        return (h, c), h
    h0 = jnp.zeros((emb_lbd.shape[1], Wh.shape[0]), emb_lbd.dtype)
    _, hs = jax.lax.scan(step, (h0, h0), emb_lbd)
    return hs


def reference(features, question, length, yesno, root_inst, find_inst,
              W_find, b_find, W_meas1, b_meas1, W_meas2, b_meas2,
              W_desc, b_desc, embed, Wi, Wh, b_lstm, W_out, b_out):
    # Find module bank: per-sample gather of K 1x1-conv experts, product of attention maps
    wk = W_find[find_inst]                                  # [B, K, C]
    bk = b_find[find_inst]                                  # [B, K]
    att = jax.nn.relu(jnp.einsum('bkc,bchw->bkhw', wk, features) + bk[:, :, None, None])
    maps = jnp.prod(att, axis=1)                            # [B, H, W]
    # Measure branch (yes/no): per-instance 2-layer MLP on flattened map
    flat = maps.reshape(maps.shape[0], -1)                  # [B, HW]
    h1 = jax.nn.relu(jnp.einsum('bi,bij->bj', flat, W_meas1[root_inst]) + b_meas1[root_inst])
    logits_meas = jnp.einsum('bj,bjk->bk', h1, W_meas2[root_inst]) + b_meas2[root_inst]
    # Describe branch: attention-pooled features -> per-instance linear
    attended = jnp.einsum('bhw,bchw->bc', maps, features)   # [B, C]
    logits_desc = jnp.einsum('bc,bck->bk', attended, W_desc[root_inst]) + b_desc[root_inst]
    root_logits = jnp.where(yesno[:, None], logits_meas, logits_desc)
    root_pred = jax.nn.softmax(root_logits, axis=1)
    # Question encoder: embedding + LSTM, take hidden at sequence length
    emb = embed[question]                                   # [B, L, D]
    hs = _lstm(jnp.swapaxes(emb, 0, 1), Wi, Wh, b_lstm)     # [L, B, D]
    idx = jnp.clip(length, 1, hs.shape[0]) - 1
    h_final = hs[idx, jnp.arange(hs.shape[1])]              # [B, D]
    enc_pred = jax.nn.softmax(h_final @ W_out + b_out, axis=1)
    return jnp.sqrt(root_pred * enc_pred)

if __name__ == "__main__":
    import jax
    _d = setup_inputs()
    print(jax.jit(kernel)(*tuple(_d.values())))

</pallas_src>

<mosaic_0001>
#map = affine_map<(d0, d1) -> (0, 0)>
#map1 = affine_map<(d0, d1) -> (0)>
module attributes {stable_mosaic.version = 14 : i64} {
  func.func @k(%arg0: i32, %arg1: i32, %arg2: memref<5000x256xf32, #tpu.memory_space<hbm>>, %arg3: memref<1280xi32, #tpu.memory_space<hbm>>, %arg4: memref<1280x256xf32, #tpu.memory_space<hbm>>, %arg5: memref<40xi32, #tpu.memory_space<vmem>>, %arg6: memref<40x256xf32, #tpu.memory_space<vmem>>, %arg7: memref<!tpu.dma_semaphore, #tpu.memory_space<semaphore_mem>>) attributes {dimension_semantics = [#tpu.dimension_semantics<core_parallel>, #tpu.dimension_semantics<subcore_parallel>], iteration_bounds = array<i64: 2, 16>, scalar_prefetch = 0 : i64, scratch_operands = 3 : i64, tpu.core_type = #tpu.core_type<sc_vector_subcore>, window_params = [{transform_indices = #map}, {transform_indices = #map1}, {transform_indices = #map}]} {
    %mul3A = arith.constant 2 : i32
    %mul3A_0 = arith.muli %arg1, %mul3A : i32
    %add3A = arith.addi %mul3A_0, %arg0 : i32
    %mul3A_1 = arith.constant 40 : i32
    %mul3A_2 = arith.muli %add3A, %mul3A_1 : i32
    "tpu.region"() ({
      %run_scoped3A = tpu.sem_alloc : memref<!tpu.dma_semaphore, #tpu.memory_space<semaphore_mem>>
      %dma_start3A_7 = tpu.memref_slice %arg3[%mul3A_2] : memref<1280xi32, #tpu.memory_space<hbm>> -> memref<40xi32, #tpu.memory_space<hbm>>
      %dma_start3A_8 = tpu.memref_slice %arg3[%mul3A_2] : memref<1280xi32, #tpu.memory_space<hbm>> -> memref<40xi32, #tpu.memory_space<hbm>>
      tpu.enqueue_dma source(%dma_start3A_8 : memref<40xi32, #tpu.memory_space<hbm>>) target(%arg5 : memref<40xi32, #tpu.memory_space<vmem>>) target_semaphore(%run_scoped3A : memref<!tpu.dma_semaphore, #tpu.memory_space<semaphore_mem>>)
      %dma_wait3A_9 = tpu.memref_slice %arg3[%mul3A_2] : memref<1280xi32, #tpu.memory_space<hbm>> -> memref<40xi32, #tpu.memory_space<hbm>>
      %dma_wait3A_10 = tpu.memref_slice %arg3[%mul3A_2] : memref<1280xi32, #tpu.memory_space<hbm>> -> memref<40xi32, #tpu.memory_space<hbm>>
      tpu.wait_dma2 semaphore(%run_scoped3A : memref<!tpu.dma_semaphore, #tpu.memory_space<semaphore_mem>>) src(%dma_wait3A_10 : memref<40xi32, #tpu.memory_space<hbm>>) dst(%arg5 : memref<40xi32, #tpu.memory_space<vmem>>)
      tpu.yield
    }) : () -> ()
    %dma_start3A = arith.constant 0 : i32
    %dma_start3A_3 = arith.constant 0 : i32
    %dma_start3A_4 = tpu.memref_slice %arg2[%dma_start3A, %dma_start3A_3] : memref<5000x256xf32, #tpu.memory_space<hbm>> -> memref<5000x256xf32, #tpu.memory_space<hbm>>
    tpu.enqueue_indirect_dma source(%dma_start3A_4 : memref<5000x256xf32, #tpu.memory_space<hbm>>) target(%arg6 : memref<40x256xf32, #tpu.memory_space<vmem>>) offsets(%arg5 : memref<40xi32, #tpu.memory_space<vmem>>) semaphore(%arg7 : memref<!tpu.dma_semaphore, #tpu.memory_space<semaphore_mem>>)
    %dma_wait3A = arith.constant 0 : i32
    %dma_wait3A_5 = arith.constant 0 : i32
    %dma_wait3A_6 = tpu.memref_slice %arg2[%dma_wait3A, %dma_wait3A_5] : memref<5000x256xf32, #tpu.memory_space<hbm>> -> memref<5000x256xf32, #tpu.memory_space<hbm>>
    tpu.wait_indirect_dma semaphore(%arg7 : memref<!tpu.dma_semaphore, #tpu.memory_space<semaphore_mem>>) src(%dma_wait3A_6 : memref<5000x256xf32, #tpu.memory_space<hbm>>) dst(%arg6 : memref<40x256xf32, #tpu.memory_space<vmem>>)
    "tpu.region"() ({
      %run_scoped3A = tpu.sem_alloc : memref<!tpu.dma_semaphore, #tpu.memory_space<semaphore_mem>>
      %dma_start3A_7 = arith.constant 0 : i32
      %dma_start3A_8 = tpu.memref_slice %arg4[%mul3A_2, %dma_start3A_7] : memref<1280x256xf32, #tpu.memory_space<hbm>> -> memref<40x256xf32, #tpu.memory_space<hbm>>
      %dma_start3A_9 = arith.constant 0 : i32
      %dma_start3A_10 = tpu.memref_slice %arg4[%mul3A_2, %dma_start3A_9] : memref<1280x256xf32, #tpu.memory_space<hbm>> -> memref<40x256xf32, #tpu.memory_space<hbm>>
      tpu.enqueue_dma source(%arg6 : memref<40x256xf32, #tpu.memory_space<vmem>>) target(%dma_start3A_10 : memref<40x256xf32, #tpu.memory_space<hbm>>) target_semaphore(%run_scoped3A : memref<!tpu.dma_semaphore, #tpu.memory_space<semaphore_mem>>)
      %dma_wait3A_11 = arith.constant 0 : i32
      %dma_wait3A_12 = tpu.memref_slice %arg4[%mul3A_2, %dma_wait3A_11] : memref<1280x256xf32, #tpu.memory_space<hbm>> -> memref<40x256xf32, #tpu.memory_space<hbm>>
      %dma_wait3A_13 = arith.constant 0 : i32
      %dma_wait3A_14 = tpu.memref_slice %arg4[%mul3A_2, %dma_wait3A_13] : memref<1280x256xf32, #tpu.memory_space<hbm>> -> memref<40x256xf32, #tpu.memory_space<hbm>>
      tpu.wait_dma2 semaphore(%run_scoped3A : memref<!tpu.dma_semaphore, #tpu.memory_space<semaphore_mem>>) src(%arg6 : memref<40x256xf32, #tpu.memory_space<vmem>>) dst(%dma_wait3A_14 : memref<40x256xf32, #tpu.memory_space<hbm>>)
      tpu.yield
    }) : () -> ()
    return
  }
}

module attributes {stable_mosaic.version = 14 : i64} {
  func.func @_find_body(%arg0: i32, %arg1: memref<8x512x196xf32, #tpu.memory_space<vmem>>, %arg2: memref<8x3x64xf32, #tpu.memory_space<vmem>>, %arg3: memref<64x512xf32, #tpu.memory_space<vmem>>, %arg4: memref<64x1xf32, #tpu.memory_space<vmem>>, %arg5: memref<8x196xf32, #tpu.memory_space<vmem>>, %arg6: memref<8x512xf32, #tpu.memory_space<vmem>>) attributes {dimension_semantics = [#tpu.dimension_semantics<arbitrary>], iteration_bounds = array<i64: 8>, scalar_prefetch = 0 : i64, scratch_operands = 0 : i64, tpu.core_type = #tpu.core_type<tc>, window_params = [{transform_indices = @transform_0, window_bounds = array<i64: 8, 512, 196>}, {transform_indices = @transform_1, window_bounds = array<i64: 8, 3, 64>}, {pipeline_mode = #tpu.pipeline_mode<synchronous>, transform_indices = @transform_2, window_bounds = array<i64: 64, 512>}, {pipeline_mode = #tpu.pipeline_mode<synchronous>, transform_indices = @transform_3, window_bounds = array<i64: 64, 1>}, {transform_indices = @transform_4, window_bounds = array<i64: 8, 196>}, {transform_indices = @transform_5, window_bounds = array<i64: 8, 512>}]} {
    %get3A = arith.constant 0 : index
    %get3A_0 = arith.constant 0 : index
    %get3A_1 = vector.load %arg3[%get3A, %get3A_0] : memref<64x512xf32, #tpu.memory_space<vmem>>, vector<64x512xf32>
    %get3A_2 = arith.constant 0 : index
    %get3A_3 = arith.constant 0 : index
    %get3A_4 = vector.load %arg4[%get3A_2, %get3A_3] : memref<64x1xf32, #tpu.memory_space<vmem>>, vector<64x1xf32>
    %get3A_5 = arith.constant 0 : index
    %get3A_6 = arith.constant 0 : index
    %get3A_7 = arith.constant 0 : index
    %get3A_8 = vector.load %arg2[%get3A_5, %get3A_6, %get3A_7] : memref<8x3x64xf32, #tpu.memory_space<vmem>>, vector<1x3x64xf32>
    %get3A_9 = vector.shape_cast %get3A_8 : vector<1x3x64xf32> to vector<3x64xf32>
    %dot_general3A = arith.constant dense<0.000000e+00> : vector<3x512xf32>
    %dot_general3A_10 = tpu.matmul %get3A_9, %get3A_1, %dot_general3A {dimension_numbers = #tpu.dot_dimension_numbers<[1], [0], [0], [1], [0, 0, 1, 1], [], []>, transpose_lhs_hint = false} : vector<3x64xf32>, vector<64x512xf32>, vector<3x512xf32> -> vector<3x512xf32>
    %dot_general3A_11 = arith.constant dense<0.000000e+00> : vector<3x1xf32>
    %dot_general3A_12 = tpu.matmul %get3A_9, %get3A_4, %dot_general3A_11 {dimension_numbers = #tpu.dot_dimension_numbers<[1], [0], [0], [1], [0, 0, 1, 1], [], []>, transpose_lhs_hint = false} : vector<3x64xf32>, vector<64x1xf32>, vector<3x1xf32> -> vector<3x1xf32>
    %get3A_13 = arith.constant 0 : index
    %get3A_14 = arith.constant 0 : index
    %get3A_15 = arith.constant 0 : index
    %get3A_16 = vector.load %arg1[%get3A_13, %get3A_14, %get3A_15] : memref<8x512x196xf32, #tpu.memory_space<vmem>>, vector<1x512x196xf32>
    %get3A_17 = vector.shape_cast %get3A_16 : vector<1x512x196xf32> to vector<512x196xf32>
    %dot_general3A_18 = arith.constant dense<0.000000e+00> : vector<3x196xf32>
    %dot_general3A_19 = tpu.matmul %dot_general3A_10, %get3A_17, %dot_general3A_18 {dimension_numbers = #tpu.dot_dimension_numbers<[1], [0], [0], [1], [0, 0, 1, 1], [], []>, transpose_lhs_hint = false} : vector<3x512xf32>, vector<512x196xf32>, vector<3x196xf32> -> vector<3x196xf32>
    %add3A = vector.broadcast %dot_general3A_12 : vector<3x1xf32> to vector<3x196xf32>
    %add3A_20 = arith.addf %dot_general3A_19, %add3A : vector<3x196xf32>
    %max3A = arith.constant 0.000000e+00 : f32
    %max3A_21 = vector.broadcast %max3A : f32 to vector<3x196xf32>
    %max3A_22 = arith.maximumf %add3A_20, %max3A_21 : vector<3x196xf32>
    %slice3A = vector.extract_strided_slice %max3A_22 {offsets = [0, 0], sizes = [1, 196], strides = [1, 1]} : vector<3x196xf32> to vector<1x196xf32>
    %slice3A_23 = vector.extract_strided_slice %max3A_22 {offsets = [1, 0], sizes = [1, 196], strides = [1, 1]} : vector<3x196xf32> to vector<1x196xf32>
    %mul3A = arith.mulf %slice3A, %slice3A_23 : vector<1x196xf32>
    %slice3A_24 = vector.extract_strided_slice %max3A_22 {offsets = [2, 0], sizes = [1, 196], strides = [1, 1]} : vector<3x196xf32> to vector<1x196xf32>
    %mul3A_25 = arith.mulf %mul3A, %slice3A_24 : vector<1x196xf32>
    %squeeze3A = vector.shape_cast %mul3A_25 : vector<1x196xf32> to vector<196xf32>
    %swap3A = arith.constant 0 : index
    %swap3A_26 = arith.constant 0 : index
    %swap3A_27 = vector.load %arg5[%swap3A, %swap3A_26] : memref<8x196xf32, #tpu.memory_space<vmem>>, vector<1x196xf32>
    %swap3A_28 = vector.shape_cast %swap3A_27 : vector<1x196xf32> to vector<196xf32>
    %swap3A_29 = vector.shape_cast %squeeze3A : vector<196xf32> to vector<1x196xf32>
    tpu.vector_store %arg5[%swap3A, %swap3A_26], %swap3A_29 {strides = array<i32>} : memref<8x196xf32, #tpu.memory_space<vmem>>, vector<1x196xf32>,
    %mul3A_30 = vector.broadcast %mul3A_25 : vector<1x196xf32> to vector<512x196xf32>
    %mul3A_31 = arith.mulf %get3A_17, %mul3A_30 : vector<512x196xf32>
    %reduce_sum3A = arith.constant dense<0.000000e+00> : vector<512xf32>
    %reduce_sum3A_32 = vector.multi_reduction <add>, %mul3A_31, %reduce_sum3A [1] : vector<512x196xf32> to vector<512xf32>
    %swap3A_33 = arith.constant 0 : index
    %swap3A_34 = arith.constant 0 : index
    %swap3A_35 = vector.load %arg6[%swap3A_33, %swap3A_34] : memref<8x512xf32, #tpu.memory_space<vmem>>, vector<1x512xf32>
    %swap3A_36 = vector.shape_cast %swap3A_35 : vector<1x512xf32> to vector<512xf32>
    %swap3A_37 = vector.shape_cast %reduce_sum3A_32 : vector<512xf32> to vector<1x512xf32>
    tpu.vector_store %arg6[%swap3A_33, %swap3A_34], %swap3A_37 {strides = array<i32>} : memref<8x512xf32, #tpu.memory_space<vmem>>, vector<1x512xf32>,
    %get3A_38 = arith.constant 1 : index
    %get3A_39 = arith.constant 0 : index
    %get3A_40 = arith.constant 0 : index
    %get3A_41 = vector.load %arg2[%get3A_38, %get3A_39, %get3A_40] : memref<8x3x64xf32, #tpu.memory_space<vmem>>, vector<1x3x64xf32>
    %get3A_42 = vector.shape_cast %get3A_41 : vector<1x3x64xf32> to vector<3x64xf32>
    %dot_general3A_43 = arith.constant dense<0.000000e+00> : vector<3x512xf32>
    %dot_general3A_44 = tpu.matmul %get3A_42, %get3A_1, %dot_general3A_43 {dimension_numbers = #tpu.dot_dimension_numbers<[1], [0], [0], [1], [0, 0, 1, 1], [], []>, transpose_lhs_hint = false} : vector<3x64xf32>, vector<64x512xf32>, vector<3x512xf32> -> vector<3x512xf32>
    %dot_general3A_45 = arith.constant dense<0.000000e+00> : vector<3x1xf32>
    %dot_general3A_46 = tpu.matmul %get3A_42, %get3A_4, %dot_general3A_45 {dimension_numbers = #tpu.dot_dimension_numbers<[1], [0], [0], [1], [0, 0, 1, 1], [], []>, transpose_lhs_hint = false} : vector<3x64xf32>, vector<64x1xf32>, vector<3x1xf32> -> vector<3x1xf32>
    %get3A_47 = arith.constant 1 : index
    %get3A_48 = arith.constant 0 : index
    %get3A_49 = arith.constant 0 : index
    %get3A_50 = vector.load %arg1[%get3A_47, %get3A_48, %get3A_49] : memref<8x512x196xf32, #tpu.memory_space<vmem>>, vector<1x512x196xf32>
    %get3A_51 = vector.shape_cast %get3A_50 : vector<1x512x196xf32> to vector<512x196xf32>
    %dot_general3A_52 = arith.constant dense<0.000000e+00> : vector<3x196xf32>
    %dot_general3A_53 = tpu.matmul %dot_general3A_44, %get3A_51, %dot_general3A_52 {dimension_numbers = #tpu.dot_dimension_numbers<[1], [0], [0], [1], [0, 0, 1, 1], [], []>, transpose_lhs_hint = false} : vector<3x512xf32>, vector<512x196xf32>, vector<3x196xf32> -> vector<3x196xf32>
    %add3A_54 = vector.broadcast %dot_general3A_46 : vector<3x1xf32> to vector<3x196xf32>
    %add3A_55 = arith.addf %dot_general3A_53, %add3A_54 : vector<3x196xf32>
    %max3A_56 = arith.constant 0.000000e+00 : f32
    %max3A_57 = vector.broadcast %max3A_56 : f32 to vector<3x196xf32>
    %max3A_58 = arith.maximumf %add3A_55, %max3A_57 : vector<3x196xf32>
    %slice3A_59 = vector.extract_strided_slice %max3A_58 {offsets = [0, 0], sizes = [1, 196], strides = [1, 1]} : vector<3x196xf32> to vector<1x196xf32>
    %slice3A_60 = vector.extract_strided_slice %max3A_58 {offsets = [1, 0], sizes = [1, 196], strides = [1, 1]} : vector<3x196xf32> to vector<1x196xf32>
    %mul3A_61 = arith.mulf %slice3A_59, %slice3A_60 : vector<1x196xf32>
    %slice3A_62 = vector.extract_strided_slice %max3A_58 {offsets = [2, 0], sizes = [1, 196], strides = [1, 1]} : vector<3x196xf32> to vector<1x196xf32>
    %mul3A_63 = arith.mulf %mul3A_61, %slice3A_62 : vector<1x196xf32>
    %squeeze3A_64 = vector.shape_cast %mul3A_63 : vector<1x196xf32> to vector<196xf32>
    %swap3A_65 = arith.constant 1 : index
    %swap3A_66 = arith.constant 0 : index
    %swap3A_67 = vector.load %arg5[%swap3A_65, %swap3A_66] : memref<8x196xf32, #tpu.memory_space<vmem>>, vector<1x196xf32>
    %swap3A_68 = vector.shape_cast %swap3A_67 : vector<1x196xf32> to vector<196xf32>
    %swap3A_69 = vector.shape_cast %squeeze3A_64 : vector<196xf32> to vector<1x196xf32>
    tpu.vector_store %arg5[%swap3A_65, %swap3A_66], %swap3A_69 {strides = array<i32>} : memref<8x196xf32, #tpu.memory_space<vmem>>, vector<1x196xf32>,
    %mul3A_70 = vector.broadcast %mul3A_63 : vector<1x196xf32> to vector<512x196xf32>
    %mul3A_71 = arith.mulf %get3A_51, %mul3A_70 : vector<512x196xf32>
    %reduce_sum3A_72 = arith.constant dense<0.000000e+00> : vector<512xf32>
    %reduce_sum3A_73 = vector.multi_reduction <add>, %mul3A_71, %reduce_sum3A_72 [1] : vector<512x196xf32> to vector<512xf32>
    %swap3A_74 = arith.constant 1 : index
    %swap3A_75 = arith.constant 0 : index
    %swap3A_76 = vector.load %arg6[%swap3A_74, %swap3A_75] : memref<8x512xf32, #tpu.memory_space<vmem>>, vector<1x512xf32>
    %swap3A_77 = vector.shape_cast %swap3A_76 : vector<1x512xf32> to vector<512xf32>
    %swap3A_78 = vector.shape_cast %reduce_sum3A_73 : vector<512xf32> to vector<1x512xf32>
    tpu.vector_store %arg6[%swap3A_74, %swap3A_75], %swap3A_78 {strides = array<i32>} : memref<8x512xf32, #tpu.memory_space<vmem>>, vector<1x512xf32>,
    %get3A_79 = arith.constant 2 : index
    %get3A_80 = arith.constant 0 : index
    %get3A_81 = arith.constant 0 : index
    %get3A_82 = vector.load %arg2[%get3A_79, %get3A_80, %get3A_81] : memref<8x3x64xf32, #tpu.memory_space<vmem>>, vector<1x3x64xf32>
    %get3A_83 = vector.shape_cast %get3A_82 : vector<1x3x64xf32> to vector<3x64xf32>
    %dot_general3A_84 = arith.constant dense<0.000000e+00> : vector<3x512xf32>
    %dot_general3A_85 = tpu.matmul %get3A_83, %get3A_1, %dot_general3A_84 {dimension_numbers = #tpu.dot_dimension_numbers<[1], [0], [0], [1], [0, 0, 1, 1], [], []>, transpose_lhs_hint = false} : vector<3x64xf32>, vector<64x512xf32>, vector<3x512xf32> -> vector<3x512xf32>
    %dot_general3A_86 = arith.constant dense<0.000000e+00> : vector<3x1xf32>
    %dot_general3A_87 = tpu.matmul %get3A_83, %get3A_4, %dot_general3A_86 {dimension_numbers = #tpu.dot_dimension_numbers<[1], [0], [0], [1], [0, 0, 1, 1], [], []>, transpose_lhs_hint = false} : vector<3x64xf32>, vector<64x1xf32>, vector<3x1xf32> -> vector<3x1xf32>
    %get3A_88 = arith.constant 2 : index
    %get3A_89 = arith.constant 0 : index
    %get3A_90 = arith.constant 0 : index
    %get3A_91 = vector.load %arg1[%get3A_88, %get3A_89, %get3A_90] : memref<8x512x196xf32, #tpu.memory_space<vmem>>, vector<1x512x196xf32>
    %get3A_92 = vector.shape_cast %get3A_91 : vector<1x512x196xf32> to vector<512x196xf32>
    %dot_general3A_93 = arith.constant dense<0.000000e+00> : vector<3x196xf32>
    %dot_general3A_94 = tpu.matmul %dot_general3A_85, %get3A_92, %dot_general3A_93 {dimension_numbers = #tpu.dot_dimension_numbers<[1], [0], [0], [1], [0, 0, 1, 1], [], []>, transpose_lhs_hint = false} : vector<3x512xf32>, vector<512x196xf32>, vector<3x196xf32> -> vector<3x196xf32>
    %add3A_95 = vector.broadcast %dot_general3A_87 : vector<3x1xf32> to vector<3x196xf32>
    %add3A_96 = arith.addf %dot_general3A_94, %add3A_95 : vector<3x196xf32>
    %max3A_97 = arith.constant 0.000000e+00 : f32
    %max3A_98 = vector.broadcast %max3A_97 : f32 to vector<3x196xf32>
    %max3A_99 = arith.maximumf %add3A_96, %max3A_98 : vector<3x196xf32>
    %slice3A_100 = vector.extract_strided_slice %max3A_99 {offsets = [0, 0], sizes = [1, 196], strides = [1, 1]} : vector<3x196xf32> to vector<1x196xf32>
    %slice3A_101 = vector.extract_strided_slice %max3A_99 {offsets = [1, 0], sizes = [1, 196], strides = [1, 1]} : vector<3x196xf32> to vector<1x196xf32>
    %mul3A_102 = arith.mulf %slice3A_100, %slice3A_101 : vector<1x196xf32>
    %slice3A_103 = vector.extract_strided_slice %max3A_99 {offsets = [2, 0], sizes = [1, 196], strides = [1, 1]} : vector<3x196xf32> to vector<1x196xf32>
    %mul3A_104 = arith.mulf %mul3A_102, %slice3A_103 : vector<1x196xf32>
    %squeeze3A_105 = vector.shape_cast %mul3A_104 : vector<1x196xf32> to vector<196xf32>
    %swap3A_106 = arith.constant 2 : index
    %swap3A_107 = arith.constant 0 : index
    %swap3A_108 = vector.load %arg5[%swap3A_106, %swap3A_107] : memref<8x196xf32, #tpu.memory_space<vmem>>, vector<1x196xf32>
    %swap3A_109 = vector.shape_cast %swap3A_108 : vector<1x196xf32> to vector<196xf32>
    %swap3A_110 = vector.shape_cast %squeeze3A_105 : vector<196xf32> to vector<1x196xf32>
    tpu.vector_store %arg5[%swap3A_106, %swap3A_107], %swap3A_110 {strides = array<i32>} : memref<8x196xf32, #tpu.memory_space<vmem>>, vector<1x196xf32>,
    %mul3A_111 = vector.broadcast %mul3A_104 : vector<1x196xf32> to vector<512x196xf32>
    %mul3A_112 = arith.mulf %get3A_92, %mul3A_111 : vector<512x196xf32>
    %reduce_sum3A_113 = arith.constant dense<0.000000e+00> : vector<512xf32>
    %reduce_sum3A_114 = vector.multi_reduction <add>, %mul3A_112, %reduce_sum3A_113 [1] : vector<512x196xf32> to vector<512xf32>
    %swap3A_115 = arith.constant 2 : index
    %swap3A_116 = arith.constant 0 : index
    %swap3A_117 = vector.load %arg6[%swap3A_115, %swap3A_116] : memref<8x512xf32, #tpu.memory_space<vmem>>, vector<1x512xf32>
    %swap3A_118 = vector.shape_cast %swap3A_117 : vector<1x512xf32> to vector<512xf32>
    %swap3A_119 = vector.shape_cast %reduce_sum3A_114 : vector<512xf32> to vector<1x512xf32>
    tpu.vector_store %arg6[%swap3A_115, %swap3A_116], %swap3A_119 {strides = array<i32>} : memref<8x512xf32, #tpu.memory_space<vmem>>, vector<1x512xf32>,
    %get3A_120 = arith.constant 3 : index
    %get3A_121 = arith.constant 0 : index
    %get3A_122 = arith.constant 0 : index
    %get3A_123 = vector.load %arg2[%get3A_120, %get3A_121, %get3A_122] : memref<8x3x64xf32, #tpu.memory_space<vmem>>, vector<1x3x64xf32>
    %get3A_124 = vector.shape_cast %get3A_123 : vector<1x3x64xf32> to vector<3x64xf32>
    %dot_general3A_125 = arith.constant dense<0.000000e+00> : vector<3x512xf32>
    %dot_general3A_126 = tpu.matmul %get3A_124, %get3A_1, %dot_general3A_125 {dimension_numbers = #tpu.dot_dimension_numbers<[1], [0], [0], [1], [0, 0, 1, 1], [], []>, transpose_lhs_hint = false} : vector<3x64xf32>, vector<64x512xf32>, vector<3x512xf32> -> vector<3x512xf32>
    %dot_general3A_127 = arith.constant dense<0.000000e+00> : vector<3x1xf32>
    %dot_general3A_128 = tpu.matmul %get3A_124, %get3A_4, %dot_general3A_127 {dimension_numbers = #tpu.dot_dimension_numbers<[1], [0], [0], [1], [0, 0, 1, 1], [], []>, transpose_lhs_hint = false} : vector<3x64xf32>, vector<64x1xf32>, vector<3x1xf32> -> vector<3x1xf32>
    %get3A_129 = arith.constant 3 : index
    %get3A_130 = arith.constant 0 : index
    %get3A_131 = arith.constant 0 : index
    %get3A_132 = vector.load %arg1[%get3A_129, %get3A_130, %get3A_131] : memref<8x512x196xf32, #tpu.memory_space<vmem>>, vector<1x512x196xf32>
    %get3A_133 = vector.shape_cast %get3A_132 : vector<1x512x196xf32> to vector<512x196xf32>
    %dot_general3A_134 = arith.constant dense<0.000000e+00> : vector<3x196xf32>
    %dot_general3A_135 = tpu.matmul %dot_general3A_126, %get3A_133, %dot_general3A_134 {dimension_numbers = #tpu.dot_dimension_numbers<[1], [0], [0], [1], [0, 0, 1, 1], [], []>, transpose_lhs_hint = false} : vector<3x512xf32>, vector<512x196xf32>, vector<3x196xf32> -> vector<3x196xf32>
    %add3A_136 = vector.broadcast %dot_general3A_128 : vector<3x1xf32> to vector<3x196xf32>
    %add3A_137 = arith.addf %dot_general3A_135, %add3A_136 : vector<3x196xf32>
    %max3A_138 = arith.constant 0.000000e+00 : f32
    %max3A_139 = vector.broadcast %max3A_138 : f32 to vector<3x196xf32>
    %max3A_140 = arith.maximumf %add3A_137, %max3A_139 : vector<3x196xf32>
    %slice3A_141 = vector.extract_strided_slice %max3A_140 {offsets = [0, 0], sizes = [1, 196], strides = [1, 1]} : vector<3x196xf32> to vector<1x196xf32>
    %slice3A_142 = vector.extract_strided_slice %max3A_140 {offsets = [1, 0], sizes = [1, 196], strides = [1, 1]} : vector<3x196xf32> to vector<1x196xf32>
    %mul3A_143 = arith.mulf %slice3A_141, %slice3A_142 : vector<1x196xf32>
    %slice3A_144 = vector.extract_strided_slice %max3A_140 {offsets = [2, 0], sizes = [1, 196], strides = [1, 1]} : vector<3x196xf32> to vector<1x196xf32>
    %mul3A_145 = arith.mulf %mul3A_143, %slice3A_144 : vector<1x196xf32>
    %squeeze3A_146 = vector.shape_cast %mul3A_145 : vector<1x196xf32> to vector<196xf32>
    %swap3A_147 = arith.constant 3 : index
    %swap3A_148 = arith.constant 0 : index
    %swap3A_149 = vector.load %arg5[%swap3A_147, %swap3A_148] : memref<8x196xf32, #tpu.memory_space<vmem>>, vector<1x196xf32>
    %swap3A_150 = vector.shape_cast %swap3A_149 : vector<1x196xf32> to vector<196xf32>
    %swap3A_151 = vector.shape_cast %squeeze3A_146 : vector<196xf32> to vector<1x196xf32>
    tpu.vector_store %arg5[%swap3A_147, %swap3A_148], %swap3A_151 {strides = array<i32>} : memref<8x196xf32, #tpu.memory_space<vmem>>, vector<1x196xf32>,
    %mul3A_152 = vector.broadcast %mul3A_145 : vector<1x196xf32> to vector<512x196xf32>
    %mul3A_153 = arith.mulf %get3A_133, %mul3A_152 : vector<512x196xf32>
    %reduce_sum3A_154 = arith.constant dense<0.000000e+00> : vector<512xf32>
    %reduce_sum3A_155 = vector.multi_reduction <add>, %mul3A_153, %reduce_sum3A_154 [1] : vector<512x196xf32> to vector<512xf32>
    %swap3A_156 = arith.constant 3 : index
    %swap3A_157 = arith.constant 0 : index
    %swap3A_158 = vector.load %arg6[%swap3A_156, %swap3A_157] : memref<8x512xf32, #tpu.memory_space<vmem>>, vector<1x512xf32>
    %swap3A_159 = vector.shape_cast %swap3A_158 : vector<1x512xf32> to vector<512xf32>
    %swap3A_160 = vector.shape_cast %reduce_sum3A_155 : vector<512xf32> to vector<1x512xf32>
    tpu.vector_store %arg6[%swap3A_156, %swap3A_157], %swap3A_160 {strides = array<i32>} : memref<8x512xf32, #tpu.memory_space<vmem>>, vector<1x512xf32>,
    %get3A_161 = arith.constant 4 : index
    %get3A_162 = arith.constant 0 : index
    %get3A_163 = arith.constant 0 : index
    %get3A_164 = vector.load %arg2[%get3A_161, %get3A_162, %get3A_163] : memref<8x3x64xf32, #tpu.memory_space<vmem>>, vector<1x3x64xf32>
    %get3A_165 = vector.shape_cast %get3A_164 : vector<1x3x64xf32> to vector<3x64xf32>
    %dot_general3A_166 = arith.constant dense<0.000000e+00> : vector<3x512xf32>
    %dot_general3A_167 = tpu.matmul %get3A_165, %get3A_1, %dot_general3A_166 {dimension_numbers = #tpu.dot_dimension_numbers<[1], [0], [0], [1], [0, 0, 1, 1], [], []>, transpose_lhs_hint = false} : vector<3x64xf32>, vector<64x512xf32>, vector<3x512xf32> -> vector<3x512xf32>
    %dot_general3A_168 = arith.constant dense<0.000000e+00> : vector<3x1xf32>
    %dot_general3A_169 = tpu.matmul %get3A_165, %get3A_4, %dot_general3A_168 {dimension_numbers = #tpu.dot_dimension_numbers<[1], [0], [0], [1], [0, 0, 1, 1], [], []>, transpose_lhs_hint = false} : vector<3x64xf32>, vector<64x1xf32>, vector<3x1xf32> -> vector<3x1xf32>
    %get3A_170 = arith.constant 4 : index
    %get3A_171 = arith.constant 0 : index
    %get3A_172 = arith.constant 0 : index
    %get3A_173 = vector.load %arg1[%get3A_170, %get3A_171, %get3A_172] : memref<8x512x196xf32, #tpu.memory_space<vmem>>, vector<1x512x196xf32>
    %get3A_174 = vector.shape_cast %get3A_173 : vector<1x512x196xf32> to vector<512x196xf32>
    %dot_general3A_175 = arith.constant dense<0.000000e+00> : vector<3x196xf32>
    %dot_general3A_176 = tpu.matmul %dot_general3A_167, %get3A_174, %dot_general3A_175 {dimension_numbers = #tpu.dot_dimension_numbers<[1], [0], [0], [1], [0, 0, 1, 1], [], []>, transpose_lhs_hint = false} : vector<3x512xf32>, vector<512x196xf32>, vector<3x196xf32> -> vector<3x196xf32>
    %add3A_177 = vector.broadcast %dot_general3A_169 : vector<3x1xf32> to vector<3x196xf32>
    %add3A_178 = arith.addf %dot_general3A_176, %add3A_177 : vector<3x196xf32>
    %max3A_179 = arith.constant 0.000000e+00 : f32
    %max3A_180 = vector.broadcast %max3A_179 : f32 to vector<3x196xf32>
    %max3A_181 = arith.maximumf %add3A_178, %max3A_180 : vector<3x196xf32>
    %slice3A_182 = vector.extract_strided_slice %max3A_181 {offsets = [0, 0], sizes = [1, 196], strides = [1, 1]} : vector<3x196xf32> to vector<1x196xf32>
    %slice3A_183 = vector.extract_strided_slice %max3A_181 {offsets = [1, 0], sizes = [1, 196], strides = [1, 1]} : vector<3x196xf32> to vector<1x196xf32>
    %mul3A_184 = arith.mulf %slice3A_182, %slice3A_183 : vector<1x196xf32>
    %slice3A_185 = vector.extract_strided_slice %max3A_181 {offsets = [2, 0], sizes = [1, 196], strides = [1, 1]} : vector<3x196xf32> to vector<1x196xf32>
    %mul3A_186 = arith.mulf %mul3A_184, %slice3A_185 : vector<1x196xf32>
    %squeeze3A_187 = vector.shape_cast %mul3A_186 : vector<1x196xf32> to vector<196xf32>
    %swap3A_188 = arith.constant 4 : index
    %swap3A_189 = arith.constant 0 : index
    %swap3A_190 = vector.load %arg5[%swap3A_188, %swap3A_189] : memref<8x196xf32, #tpu.memory_space<vmem>>, vector<1x196xf32>
    %swap3A_191 = vector.shape_cast %swap3A_190 : vector<1x196xf32> to vector<196xf32>
    %swap3A_192 = vector.shape_cast %squeeze3A_187 : vector<196xf32> to vector<1x196xf32>
    tpu.vector_store %arg5[%swap3A_188, %swap3A_189], %swap3A_192 {strides = array<i32>} : memref<8x196xf32, #tpu.memory_space<vmem>>, vector<1x196xf32>,
    %mul3A_193 = vector.broadcast %mul3A_186 : vector<1x196xf32> to vector<512x196xf32>
    %mul3A_194 = arith.mulf %get3A_174, %mul3A_193 : vector<512x196xf32>
    %reduce_sum3A_195 = arith.constant dense<0.000000e+00> : vector<512xf32>
    %reduce_sum3A_196 = vector.multi_reduction <add>, %mul3A_194, %reduce_sum3A_195 [1] : vector<512x196xf32> to vector<512xf32>
    %swap3A_197 = arith.constant 4 : index
    %swap3A_198 = arith.constant 0 : index
    %swap3A_199 = vector.load %arg6[%swap3A_197, %swap3A_198] : memref<8x512xf32, #tpu.memory_space<vmem>>, vector<1x512xf32>
    %swap3A_200 = vector.shape_cast %swap3A_199 : vector<1x512xf32> to vector<512xf32>
    %swap3A_201 = vector.shape_cast %reduce_sum3A_196 : vector<512xf32> to vector<1x512xf32>
    tpu.vector_store %arg6[%swap3A_197, %swap3A_198], %swap3A_201 {strides = array<i32>} : memref<8x512xf32, #tpu.memory_space<vmem>>, vector<1x512xf32>,
    %get3A_202 = arith.constant 5 : index
    %get3A_203 = arith.constant 0 : index
    %get3A_204 = arith.constant 0 : index
    %get3A_205 = vector.load %arg2[%get3A_202, %get3A_203, %get3A_204] : memref<8x3x64xf32, #tpu.memory_space<vmem>>, vector<1x3x64xf32>
    %get3A_206 = vector.shape_cast %get3A_205 : vector<1x3x64xf32> to vector<3x64xf32>
    %dot_general3A_207 = arith.constant dense<0.000000e+00> : vector<3x512xf32>
    %dot_general3A_208 = tpu.matmul %get3A_206, %get3A_1, %dot_general3A_207 {dimension_numbers = #tpu.dot_dimension_numbers<[1], [0], [0], [1], [0, 0, 1, 1], [], []>, transpose_lhs_hint = false} : vector<3x64xf32>, vector<64x512xf32>, vector<3x512xf32> -> vector<3x512xf32>
    %dot_general3A_209 = arith.constant dense<0.000000e+00> : vector<3x1xf32>
    %dot_general3A_210 = tpu.matmul %get3A_206, %get3A_4, %dot_general3A_209 {dimension_numbers = #tpu.dot_dimension_numbers<[1], [0], [0], [1], [0, 0, 1, 1], [], []>, transpose_lhs_hint = false} : vector<3x64xf32>, vector<64x1xf32>, vector<3x1xf32> -> vector<3x1xf32>
    %get3A_211 = arith.constant 5 : index
    %get3A_212 = arith.constant 0 : index
    %get3A_213 = arith.constant 0 : index
    %get3A_214 = vector.load %arg1[%get3A_211, %get3A_212, %get3A_213] : memref<8x512x196xf32, #tpu.memory_space<vmem>>, vector<1x512x196xf32>
    %get3A_215 = vector.shape_cast %get3A_214 : vector<1x512x196xf32> to vector<512x196xf32>
    %dot_general3A_216 = arith.constant dense<0.000000e+00> : vector<3x196xf32>
    %dot_general3A_217 = tpu.matmul %dot_general3A_208, %get3A_215, %dot_general3A_216 {dimension_numbers = #tpu.dot_dimension_numbers<[1], [0], [0], [1], [0, 0, 1, 1], [], []>, transpose_lhs_hint = false} : vector<3x512xf32>, vector<512x196xf32>, vector<3x196xf32> -> vector<3x196xf32>
    %add3A_218 = vector.broadcast %dot_general3A_210 : vector<3x1xf32> to vector<3x196xf32>
    %add3A_219 = arith.addf %dot_general3A_217, %add3A_218 : vector<3x196xf32>
    %max3A_220 = arith.constant 0.000000e+00 : f32
    %max3A_221 = vector.broadcast %max3A_220 : f32 to vector<3x196xf32>
    %max3A_222 = arith.maximumf %add3A_219, %max3A_221 : vector<3x196xf32>
    %slice3A_223 = vector.extract_strided_slice %max3A_222 {offsets = [0, 0], sizes = [1, 196], strides = [1, 1]} : vector<3x196xf32> to vector<1x196xf32>
    %slice3A_224 = vector.extract_strided_slice %max3A_222 {offsets = [1, 0], sizes = [1, 196], strides = [1, 1]} : vector<3x196xf32> to vector<1x196xf32>
    %mul3A_225 = arith.mulf %slice3A_223, %slice3A_224 : vector<1x196xf32>
    %slice3A_226 = vector.extract_strided_slice %max3A_222 {offsets = [2, 0], sizes = [1, 196], strides = [1, 1]} : vector<3x196xf32> to vector<1x196xf32>
    %mul3A_227 = arith.mulf %mul3A_225, %slice3A_226 : vector<1x196xf32>
    %squeeze3A_228 = vector.shape_cast %mul3A_227 : vector<1x196xf32> to vector<196xf32>
    %swap3A_229 = arith.constant 5 : index
    %swap3A_230 = arith.constant 0 : index
    %swap3A_231 = vector.load %arg5[%swap3A_229, %swap3A_230] : memref<8x196xf32, #tpu.memory_space<vmem>>, vector<1x196xf32>
    %swap3A_232 = vector.shape_cast %swap3A_231 : vector<1x196xf32> to vector<196xf32>
    %swap3A_233 = vector.shape_cast %squeeze3A_228 : vector<196xf32> to vector<1x196xf32>
    tpu.vector_store %arg5[%swap3A_229, %swap3A_230], %swap3A_233 {strides = array<i32>} : memref<8x196xf32, #tpu.memory_space<vmem>>, vector<1x196xf32>,
    %mul3A_234 = vector.broadcast %mul3A_227 : vector<1x196xf32> to vector<512x196xf32>
    %mul3A_235 = arith.mulf %get3A_215, %mul3A_234 : vector<512x196xf32>
    %reduce_sum3A_236 = arith.constant dense<0.000000e+00> : vector<512xf32>
    %reduce_sum3A_237 = vector.multi_reduction <add>, %mul3A_235, %reduce_sum3A_236 [1] : vector<512x196xf32> to vector<512xf32>
    %swap3A_238 = arith.constant 5 : index
    %swap3A_239 = arith.constant 0 : index
    %swap3A_240 = vector.load %arg6[%swap3A_238, %swap3A_239] : memref<8x512xf32, #tpu.memory_space<vmem>>, vector<1x512xf32>
    %swap3A_241 = vector.shape_cast %swap3A_240 : vector<1x512xf32> to vector<512xf32>
    %swap3A_242 = vector.shape_cast %reduce_sum3A_237 : vector<512xf32> to vector<1x512xf32>
    tpu.vector_store %arg6[%swap3A_238, %swap3A_239], %swap3A_242 {strides = array<i32>} : memref<8x512xf32, #tpu.memory_space<vmem>>, vector<1x512xf32>,
    %get3A_243 = arith.constant 6 : index
    %get3A_244 = arith.constant 0 : index
    %get3A_245 = arith.constant 0 : index
    %get3A_246 = vector.load %arg2[%get3A_243, %get3A_244, %get3A_245] : memref<8x3x64xf32, #tpu.memory_space<vmem>>, vector<1x3x64xf32>
    %get3A_247 = vector.shape_cast %get3A_246 : vector<1x3x64xf32> to vector<3x64xf32>
    %dot_general3A_248 = arith.constant dense<0.000000e+00> : vector<3x512xf32>
    %dot_general3A_249 = tpu.matmul %get3A_247, %get3A_1, %dot_general3A_248 {dimension_numbers = #tpu.dot_dimension_numbers<[1], [0], [0], [1], [0, 0, 1, 1], [], []>, transpose_lhs_hint = false} : vector<3x64xf32>, vector<64x512xf32>, vector<3x512xf32> -> vector<3x512xf32>
    %dot_general3A_250 = arith.constant dense<0.000000e+00> : vector<3x1xf32>
    %dot_general3A_251 = tpu.matmul %get3A_247, %get3A_4, %dot_general3A_250 {dimension_numbers = #tpu.dot_dimension_numbers<[1], [0], [0], [1], [0, 0, 1, 1], [], []>, transpose_lhs_hint = false} : vector<3x64xf32>, vector<64x1xf32>, vector<3x1xf32> -> vector<3x1xf32>
    %get3A_252 = arith.constant 6 : index
    %get3A_253 = arith.constant 0 : index
    %get3A_254 = arith.constant 0 : index
    %get3A_255 = vector.load %arg1[%get3A_252, %get3A_253, %get3A_254] : memref<8x512x196xf32, #tpu.memory_space<vmem>>, vector<1x512x196xf32>
    %get3A_256 = vector.shape_cast %get3A_255 : vector<1x512x196xf32> to vector<512x196xf32>
    %dot_general3A_257 = arith.constant dense<0.000000e+00> : vector<3x196xf32>
    %dot_general3A_258 = tpu.matmul %dot_general3A_249, %get3A_256, %dot_general3A_257 {dimension_numbers = #tpu.dot_dimension_numbers<[1], [0], [0], [1], [0, 0, 1, 1], [], []>, transpose_lhs_hint = false} : vector<3x512xf32>, vector<512x196xf32>, vector<3x196xf32> -> vector<3x196xf32>
    %add3A_259 = vector.broadcast %dot_general3A_251 : vector<3x1xf32> to vector<3x196xf32>
    %add3A_260 = arith.addf %dot_general3A_258, %add3A_259 : vector<3x196xf32>
    %max3A_261 = arith.constant 0.000000e+00 : f32
    %max3A_262 = vector.broadcast %max3A_261 : f32 to vector<3x196xf32>
    %max3A_263 = arith.maximumf %add3A_260, %max3A_262 : vector<3x196xf32>
    %slice3A_264 = vector.extract_strided_slice %max3A_263 {offsets = [0, 0], sizes = [1, 196], strides = [1, 1]} : vector<3x196xf32> to vector<1x196xf32>
    %slice3A_265 = vector.extract_strided_slice %max3A_263 {offsets = [1, 0], sizes = [1, 196], strides = [1, 1]} : vector<3x196xf32> to vector<1x196xf32>
    %mul3A_266 = arith.mulf %slice3A_264, %slice3A_265 : vector<1x196xf32>
    %slice3A_267 = vector.extract_strided_slice %max3A_263 {offsets = [2, 0], sizes = [1, 196], strides = [1, 1]} : vector<3x196xf32> to vector<1x196xf32>
    %mul3A_268 = arith.mulf %mul3A_266, %slice3A_267 : vector<1x196xf32>
    %squeeze3A_269 = vector.shape_cast %mul3A_268 : vector<1x196xf32> to vector<196xf32>
    %swap3A_270 = arith.constant 6 : index
    %swap3A_271 = arith.constant 0 : index
    %swap3A_272 = vector.load %arg5[%swap3A_270, %swap3A_271] : memref<8x196xf32, #tpu.memory_space<vmem>>, vector<1x196xf32>
    %swap3A_273 = vector.shape_cast %swap3A_272 : vector<1x196xf32> to vector<196xf32>
    %swap3A_274 = vector.shape_cast %squeeze3A_269 : vector<196xf32> to vector<1x196xf32>
    tpu.vector_store %arg5[%swap3A_270, %swap3A_271], %swap3A_274 {strides = array<i32>} : memref<8x196xf32, #tpu.memory_space<vmem>>, vector<1x196xf32>,
    %mul3A_275 = vector.broadcast %mul3A_268 : vector<1x196xf32> to vector<512x196xf32>
    %mul3A_276 = arith.mulf %get3A_256, %mul3A_275 : vector<512x196xf32>
    %reduce_sum3A_277 = arith.constant dense<0.000000e+00> : vector<512xf32>
    %reduce_sum3A_278 = vector.multi_reduction <add>, %mul3A_276, %reduce_sum3A_277 [1] : vector<512x196xf32> to vector<512xf32>
    %swap3A_279 = arith.constant 6 : index
    %swap3A_280 = arith.constant 0 : index
    %swap3A_281 = vector.load %arg6[%swap3A_279, %swap3A_280] : memref<8x512xf32, #tpu.memory_space<vmem>>, vector<1x512xf32>
    %swap3A_282 = vector.shape_cast %swap3A_281 : vector<1x512xf32> to vector<512xf32>
    %swap3A_283 = vector.shape_cast %reduce_sum3A_278 : vector<512xf32> to vector<1x512xf32>
    tpu.vector_store %arg6[%swap3A_279, %swap3A_280], %swap3A_283 {strides = array<i32>} : memref<8x512xf32, #tpu.memory_space<vmem>>, vector<1x512xf32>,
    %get3A_284 = arith.constant 7 : index
    %get3A_285 = arith.constant 0 : index
    %get3A_286 = arith.constant 0 : index
    %get3A_287 = vector.load %arg2[%get3A_284, %get3A_285, %get3A_286] : memref<8x3x64xf32, #tpu.memory_space<vmem>>, vector<1x3x64xf32>
    %get3A_288 = vector.shape_cast %get3A_287 : vector<1x3x64xf32> to vector<3x64xf32>
    %dot_general3A_289 = arith.constant dense<0.000000e+00> : vector<3x512xf32>
    %dot_general3A_290 = tpu.matmul %get3A_288, %get3A_1, %dot_general3A_289 {dimension_numbers = #tpu.dot_dimension_numbers<[1], [0], [0], [1], [0, 0, 1, 1], [], []>, transpose_lhs_hint = false} : vector<3x64xf32>, vector<64x512xf32>, vector<3x512xf32> -> vector<3x512xf32>
    %dot_general3A_291 = arith.constant dense<0.000000e+00> : vector<3x1xf32>
    %dot_general3A_292 = tpu.matmul %get3A_288, %get3A_4, %dot_general3A_291 {dimension_numbers = #tpu.dot_dimension_numbers<[1], [0], [0], [1], [0, 0, 1, 1], [], []>, transpose_lhs_hint = false} : vector<3x64xf32>, vector<64x1xf32>, vector<3x1xf32> -> vector<3x1xf32>
    %get3A_293 = arith.constant 7 : index
    %get3A_294 = arith.constant 0 : index
    %get3A_295 = arith.constant 0 : index
    %get3A_296 = vector.load %arg1[%get3A_293, %get3A_294, %get3A_295] : memref<8x512x196xf32, #tpu.memory_space<vmem>>, vector<1x512x196xf32>
    %get3A_297 = vector.shape_cast %get3A_296 : vector<1x512x196xf32> to vector<512x196xf32>
    %dot_general3A_298 = arith.constant dense<0.000000e+00> : vector<3x196xf32>
    %dot_general3A_299 = tpu.matmul %dot_general3A_290, %get3A_297, %dot_general3A_298 {dimension_numbers = #tpu.dot_dimension_numbers<[1], [0], [0], [1], [0, 0, 1, 1], [], []>, transpose_lhs_hint = false} : vector<3x512xf32>, vector<512x196xf32>, vector<3x196xf32> -> vector<3x196xf32>
    %add3A_300 = vector.broadcast %dot_general3A_292 : vector<3x1xf32> to vector<3x196xf32>
    %add3A_301 = arith.addf %dot_general3A_299, %add3A_300 : vector<3x196xf32>
    %max3A_302 = arith.constant 0.000000e+00 : f32
    %max3A_303 = vector.broadcast %max3A_302 : f32 to vector<3x196xf32>
    %max3A_304 = arith.maximumf %add3A_301, %max3A_303 : vector<3x196xf32>
    %slice3A_305 = vector.extract_strided_slice %max3A_304 {offsets = [0, 0], sizes = [1, 196], strides = [1, 1]} : vector<3x196xf32> to vector<1x196xf32>
    %slice3A_306 = vector.extract_strided_slice %max3A_304 {offsets = [1, 0], sizes = [1, 196], strides = [1, 1]} : vector<3x196xf32> to vector<1x196xf32>
    %mul3A_307 = arith.mulf %slice3A_305, %slice3A_306 : vector<1x196xf32>
    %slice3A_308 = vector.extract_strided_slice %max3A_304 {offsets = [2, 0], sizes = [1, 196], strides = [1, 1]} : vector<3x196xf32> to vector<1x196xf32>
    %mul3A_309 = arith.mulf %mul3A_307, %slice3A_308 : vector<1x196xf32>
    %squeeze3A_310 = vector.shape_cast %mul3A_309 : vector<1x196xf32> to vector<196xf32>
    %swap3A_311 = arith.constant 7 : index
    %swap3A_312 = arith.constant 0 : index
    %swap3A_313 = vector.load %arg5[%swap3A_311, %swap3A_312] : memref<8x196xf32, #tpu.memory_space<vmem>>, vector<1x196xf32>
    %swap3A_314 = vector.shape_cast %swap3A_313 : vector<1x196xf32> to vector<196xf32>
    %swap3A_315 = vector.shape_cast %squeeze3A_310 : vector<196xf32> to vector<1x196xf32>
    tpu.vector_store %arg5[%swap3A_311, %swap3A_312], %swap3A_315 {strides = array<i32>} : memref<8x196xf32, #tpu.memory_space<vmem>>, vector<1x196xf32>,
    %mul3A_316 = vector.broadcast %mul3A_309 : vector<1x196xf32> to vector<512x196xf32>
    %mul3A_317 = arith.mulf %get3A_297, %mul3A_316 : vector<512x196xf32>
    %reduce_sum3A_318 = arith.constant dense<0.000000e+00> : vector<512xf32>
    %reduce_sum3A_319 = vector.multi_reduction <add>, %mul3A_317, %reduce_sum3A_318 [1] : vector<512x196xf32> to vector<512xf32>
    %swap3A_320 = arith.constant 7 : index
    %swap3A_321 = arith.constant 0 : index
    %swap3A_322 = vector.load %arg6[%swap3A_320, %swap3A_321] : memref<8x512xf32, #tpu.memory_space<vmem>>, vector<1x512xf32>
    %swap3A_323 = vector.shape_cast %swap3A_322 : vector<1x512xf32> to vector<512xf32>
    %swap3A_324 = vector.shape_cast %reduce_sum3A_319 : vector<512xf32> to vector<1x512xf32>
    tpu.vector_store %arg6[%swap3A_320, %swap3A_321], %swap3A_324 {strides = array<i32>} : memref<8x512xf32, #tpu.memory_space<vmem>>, vector<1x512xf32>,
    return
  }
  func.func @transform_0(%arg0: i32) -> (i32, i32, i32) {
    %c0_i32 = arith.constant 0 : i32
    %c0_i32_0 = arith.constant 0 : i32
    %c0_i32_1 = arith.constant 0 : i32
    return %arg0, %c0_i32, %c0_i32_0 : i32, i32, i32
  }
  func.func @transform_1(%arg0: i32) -> (i32, i32, i32) {
    %c0_i32 = arith.constant 0 : i32
    %c0_i32_0 = arith.constant 0 : i32
    %c0_i32_1 = arith.constant 0 : i32
    return %arg0, %c0_i32, %c0_i32_0 : i32, i32, i32
  }
  func.func @transform_2(%arg0: i32) -> (i32, i32) {
    %c0_i32 = arith.constant 0 : i32
    %c0_i32_0 = arith.constant 0 : i32
    %c0_i32_1 = arith.constant 0 : i32
    return %c0_i32, %c0_i32_0 : i32, i32
  }
  func.func @transform_3(%arg0: i32) -> (i32, i32) {
    %c0_i32 = arith.constant 0 : i32
    %c0_i32_0 = arith.constant 0 : i32
    %c0_i32_1 = arith.constant 0 : i32
    return %c0_i32, %c0_i32_0 : i32, i32
  }
  func.func @transform_4(%arg0: i32) -> (i32, i32) {
    %c0_i32 = arith.constant 0 : i32
    %c0_i32_0 = arith.constant 0 : i32
    return %arg0, %c0_i32 : i32, i32
  }
  func.func @transform_5(%arg0: i32) -> (i32, i32) {
    %c0_i32 = arith.constant 0 : i32
    %c0_i32_0 = arith.constant 0 : i32
    return %arg0, %c0_i32 : i32, i32
  }
}

module attributes {stable_mosaic.version = 14 : i64} {
  func.func @_root_body(%arg0: i32, %arg1: memref<64x196xf32, #tpu.memory_space<vmem>>, %arg2: memref<64x512xf32, #tpu.memory_space<vmem>>, %arg3: memref<64x1xi32, #tpu.memory_space<vmem>>, %arg4: memref<64x1xf32, #tpu.memory_space<vmem>>, %arg5: memref<1x196x512xf32, #tpu.memory_space<vmem>>, %arg6: memref<1x1x512xf32, #tpu.memory_space<vmem>>, %arg7: memref<2000x512xf32, #tpu.memory_space<vmem>>, %arg8: memref<2000x512xf32, #tpu.memory_space<vmem>>, %arg9: memref<2000x64xf32, #tpu.memory_space<vmem>>) attributes {dimension_semantics = [#tpu.dimension_semantics<arbitrary>], iteration_bounds = array<i64: 16>, scalar_prefetch = 0 : i64, scratch_operands = 0 : i64, tpu.core_type = #tpu.core_type<tc>, window_params = [{pipeline_mode = #tpu.pipeline_mode<synchronous>, transform_indices = @transform_0, window_bounds = array<i64: 64, 196>}, {pipeline_mode = #tpu.pipeline_mode<synchronous>, transform_indices = @transform_1, window_bounds = array<i64: 64, 512>}, {pipeline_mode = #tpu.pipeline_mode<synchronous>, transform_indices = @transform_2, window_bounds = array<i64: 64, 1>}, {pipeline_mode = #tpu.pipeline_mode<synchronous>, transform_indices = @transform_3, window_bounds = array<i64: 64, 1>}, {transform_indices = @transform_4, window_bounds = array<i64: 1, 196, 512>}, {transform_indices = @transform_5, window_bounds = array<i64: 1, 1, 512>}, {transform_indices = @transform_6, window_bounds = array<i64: 2000, 512>}, {transform_indices = @transform_7, window_bounds = array<i64: 2000, 512>}, {pipeline_mode = #tpu.pipeline_mode<synchronous>, transform_indices = @transform_8, window_bounds = array<i64: 2000, 64>}]} {
    %get3A = arith.constant 0 : index
    %get3A_0 = arith.constant 0 : index
    %get3A_1 = vector.load %arg3[%get3A, %get3A_0] : memref<64x1xi32, #tpu.memory_space<vmem>>, vector<64x1xi32>
    %eq3A = vector.broadcast %arg0 : i32 to vector<64x1xi32>
    %eq3A_2 = arith.cmpi eq, %get3A_1, %eq3A : vector<64x1xi32>
    %convert_element_type3A = arith.extui %eq3A_2 : vector<64x1xi1> to vector<64x1xi32>
    %convert_element_type3A_3 = arith.sitofp %convert_element_type3A : vector<64x1xi32> to vector<64x1xf32>
    %get3A_4 = arith.constant 0 : index
    %get3A_5 = arith.constant 0 : index
    %get3A_6 = vector.load %arg4[%get3A_4, %get3A_5] : memref<64x1xf32, #tpu.memory_space<vmem>>, vector<64x1xf32>
    %mul3A = arith.mulf %convert_element_type3A_3, %get3A_6 : vector<64x1xf32>
    %sub3A = arith.constant 1.000000e+00 : f32
    %sub3A_7 = vector.broadcast %sub3A : f32 to vector<64x1xf32>
    %sub3A_8 = arith.subf %sub3A_7, %get3A_6 : vector<64x1xf32>
    %mul3A_9 = arith.mulf %convert_element_type3A_3, %sub3A_8 : vector<64x1xf32>
    %get3A_10 = arith.constant 0 : index
    %get3A_11 = arith.constant 0 : index
    %get3A_12 = vector.load %arg1[%get3A_10, %get3A_11] : memref<64x196xf32, #tpu.memory_space<vmem>>, vector<64x196xf32>
    %mul3A_13 = vector.broadcast %convert_element_type3A_3 : vector<64x1xf32> to vector<64x196xf32>
    %mul3A_14 = arith.mulf %get3A_12, %mul3A_13 : vector<64x196xf32>
    %get3A_15 = arith.constant 0 : index
    %get3A_16 = arith.constant 0 : index
    %get3A_17 = arith.constant 0 : index
    %get3A_18 = vector.load %arg5[%get3A_15, %get3A_16, %get3A_17] : memref<1x196x512xf32, #tpu.memory_space<vmem>>, vector<1x196x512xf32>
    %get3A_19 = vector.shape_cast %get3A_18 : vector<1x196x512xf32> to vector<196x512xf32>
    %dot_general3A = arith.constant dense<0.000000e+00> : vector<64x512xf32>
    %dot_general3A_20 = tpu.matmul %mul3A_14, %get3A_19, %dot_general3A {dimension_numbers = #tpu.dot_dimension_numbers<[1], [0], [0], [1], [0, 0, 1, 1], [], []>, transpose_lhs_hint = false} : vector<64x196xf32>, vector<196x512xf32>, vector<64x512xf32> -> vector<64x512xf32>
    %get3A_21 = arith.constant 0 : index
    %get3A_22 = arith.constant 0 : index
    %get3A_23 = arith.constant 0 : index
    %get3A_24 = vector.load %arg6[%get3A_21, %get3A_22, %get3A_23] : memref<1x1x512xf32, #tpu.memory_space<vmem>>, vector<1x1x512xf32>
    %get3A_25 = vector.shape_cast %get3A_24 : vector<1x1x512xf32> to vector<1x512xf32>
    %add3A = vector.broadcast %get3A_25 : vector<1x512xf32> to vector<64x512xf32>
    %add3A_26 = arith.addf %dot_general3A_20, %add3A : vector<64x512xf32>
    %max3A = arith.constant 0.000000e+00 : f32
    %max3A_27 = vector.broadcast %max3A : f32 to vector<64x512xf32>
    %max3A_28 = arith.maximumf %add3A_26, %max3A_27 : vector<64x512xf32>
    %mul3A_29 = vector.broadcast %mul3A : vector<64x1xf32> to vector<64x512xf32>
    %mul3A_30 = arith.mulf %max3A_28, %mul3A_29 : vector<64x512xf32>
    %transpose3A = tpu.transpose %mul3A_30, [1, 0] : vector<64x512xf32> -> vector<512x64xf32>
    %convert_element_type3A_31 = arith.truncf %transpose3A : vector<512x64xf32> to vector<512x64xbf16>
    %get3A_32 = arith.constant 0 : index
    %get3A_33 = arith.constant 0 : index
    %get3A_34 = vector.load %arg2[%get3A_32, %get3A_33] : memref<64x512xf32, #tpu.memory_space<vmem>>, vector<64x512xf32>
    %mul3A_35 = vector.broadcast %mul3A_9 : vector<64x1xf32> to vector<64x512xf32>
    %mul3A_36 = arith.mulf %get3A_34, %mul3A_35 : vector<64x512xf32>
    %transpose3A_37 = tpu.transpose %mul3A_36, [1, 0] : vector<64x512xf32> -> vector<512x64xf32>
    %convert_element_type3A_38 = arith.truncf %transpose3A_37 : vector<512x64xf32> to vector<512x64xbf16>
    %eq3A_39 = arith.constant 0 : i32
    %eq3A_40 = arith.cmpi eq, %arg0, %eq3A_39 : i32
    %convert_element_type3A_41 = arith.extui %eq3A_40 : i1 to i32
    %cond3A = arith.constant 0 : i32
    %cond3A_42 = arith.cmpi ne, %convert_element_type3A_41, %cond3A : i32
    scf.if %cond3A_42 {
      %broadcast_in_dim3A = arith.constant 0.000000e+00 : f32
      %broadcast_in_dim3A_62 = vector.broadcast %broadcast_in_dim3A : f32 to vector<2000x64xf32>
      %swap3A_63 = arith.constant 0 : index
      %swap3A_64 = arith.constant 0 : index
      %swap3A_65 = vector.load %arg9[%swap3A_63, %swap3A_64] : memref<2000x64xf32, #tpu.memory_space<vmem>>, vector<2000x64xf32>
      tpu.vector_store %arg9[%swap3A_63, %swap3A_64], %broadcast_in_dim3A_62 {strides = array<i32>} : memref<2000x64xf32, #tpu.memory_space<vmem>>, vector<2000x64xf32>,
    } else {
    }
    %get3A_43 = arith.constant 0 : index
    %get3A_44 = arith.constant 0 : index
    %get3A_45 = vector.load %arg9[%get3A_43, %get3A_44] : memref<2000x64xf32, #tpu.memory_space<vmem>>, vector<2000x64xf32>
    %get3A_46 = arith.constant 0 : index
    %get3A_47 = arith.constant 0 : index
    %get3A_48 = vector.load %arg7[%get3A_46, %get3A_47] : memref<2000x512xf32, #tpu.memory_space<vmem>>, vector<2000x512xf32>
    %convert_element_type3A_49 = arith.truncf %get3A_48 : vector<2000x512xf32> to vector<2000x512xbf16>
    %dot_general3A_50 = arith.constant dense<0.000000e+00> : vector<2000x64xf32>
    %dot_general3A_51 = tpu.matmul %convert_element_type3A_49, %convert_element_type3A_31, %dot_general3A_50 {dimension_numbers = #tpu.dot_dimension_numbers<[1], [0], [0], [1], [0, 0, 1, 1], [], []>, transpose_lhs_hint = false} : vector<2000x512xbf16>, vector<512x64xbf16>, vector<2000x64xf32> -> vector<2000x64xf32>
    %get3A_52 = arith.constant 0 : index
    %get3A_53 = arith.constant 0 : index
    %get3A_54 = vector.load %arg8[%get3A_52, %get3A_53] : memref<2000x512xf32, #tpu.memory_space<vmem>>, vector<2000x512xf32>
    %convert_element_type3A_55 = arith.truncf %get3A_54 : vector<2000x512xf32> to vector<2000x512xbf16>
    %dot_general3A_56 = arith.constant dense<0.000000e+00> : vector<2000x64xf32>
    %dot_general3A_57 = tpu.matmul %convert_element_type3A_55, %convert_element_type3A_38, %dot_general3A_56 {dimension_numbers = #tpu.dot_dimension_numbers<[1], [0], [0], [1], [0, 0, 1, 1], [], []>, transpose_lhs_hint = false} : vector<2000x512xbf16>, vector<512x64xbf16>, vector<2000x64xf32> -> vector<2000x64xf32>
    %add3A_58 = arith.addf %dot_general3A_51, %dot_general3A_57 : vector<2000x64xf32>
    %add3A_59 = arith.addf %get3A_45, %add3A_58 : vector<2000x64xf32>
    %swap3A = arith.constant 0 : index
    %swap3A_60 = arith.constant 0 : index
    %swap3A_61 = vector.load %arg9[%swap3A, %swap3A_60] : memref<2000x64xf32, #tpu.memory_space<vmem>>, vector<2000x64xf32>
    tpu.vector_store %arg9[%swap3A, %swap3A_60], %add3A_59 {strides = array<i32>} : memref<2000x64xf32, #tpu.memory_space<vmem>>, vector<2000x64xf32>,
    return
  }
  func.func @transform_0(%arg0: i32) -> (i32, i32) {
    %c0_i32 = arith.constant 0 : i32
    %c0_i32_0 = arith.constant 0 : i32
    %c0_i32_1 = arith.constant 0 : i32
    return %c0_i32, %c0_i32_0 : i32, i32
  }
  func.func @transform_1(%arg0: i32) -> (i32, i32) {
    %c0_i32 = arith.constant 0 : i32
    %c0_i32_0 = arith.constant 0 : i32
    %c0_i32_1 = arith.constant 0 : i32
    return %c0_i32, %c0_i32_0 : i32, i32
  }
  func.func @transform_2(%arg0: i32) -> (i32, i32) {
    %c0_i32 = arith.constant 0 : i32
    %c0_i32_0 = arith.constant 0 : i32
    %c0_i32_1 = arith.constant 0 : i32
    return %c0_i32, %c0_i32_0 : i32, i32
  }
  func.func @transform_3(%arg0: i32) -> (i32, i32) {
    %c0_i32 = arith.constant 0 : i32
    %c0_i32_0 = arith.constant 0 : i32
    %c0_i32_1 = arith.constant 0 : i32
    return %c0_i32, %c0_i32_0 : i32, i32
  }
  func.func @transform_4(%arg0: i32) -> (i32, i32, i32) {
    %c0_i32 = arith.constant 0 : i32
    %c0_i32_0 = arith.constant 0 : i32
    %c0_i32_1 = arith.constant 0 : i32
    return %arg0, %c0_i32, %c0_i32_0 : i32, i32, i32
  }
  func.func @transform_5(%arg0: i32) -> (i32, i32, i32) {
    %c0_i32 = arith.constant 0 : i32
    %c0_i32_0 = arith.constant 0 : i32
    %c0_i32_1 = arith.constant 0 : i32
    return %arg0, %c0_i32, %c0_i32_0 : i32, i32, i32
  }
  func.func @transform_6(%arg0: i32) -> (i32, i32) {
    %c0_i32 = arith.constant 0 : i32
    %c0_i32_0 = arith.constant 0 : i32
    return %arg0, %c0_i32 : i32, i32
  }
  func.func @transform_7(%arg0: i32) -> (i32, i32) {
    %c0_i32 = arith.constant 0 : i32
    %c0_i32_0 = arith.constant 0 : i32
    return %arg0, %c0_i32 : i32, i32
  }
  func.func @transform_8(%arg0: i32) -> (i32, i32) {
    %c0_i32 = arith.constant 0 : i32
    %c0_i32_0 = arith.constant 0 : i32
    %c0_i32_1 = arith.constant 0 : i32
    return %c0_i32, %c0_i32_0 : i32, i32
  }
}

module attributes {stable_mosaic.version = 14 : i64} {
  func.func @_lstm_body(%arg0: memref<1280x256xf32, #tpu.memory_space<vmem>>, %arg1: memref<256x1024xf32, #tpu.memory_space<vmem>>, %arg2: memref<256x1024xf32, #tpu.memory_space<vmem>>, %arg3: memref<1x1024xf32, #tpu.memory_space<vmem>>, %arg4: memref<64x1xi32, #tpu.memory_space<vmem>>, %arg5: memref<256x2000xf32, #tpu.memory_space<vmem>>, %arg6: memref<1x2000xf32, #tpu.memory_space<vmem>>, %arg7: memref<2000x64xf32, #tpu.memory_space<vmem>>, %arg8: memref<64x1xi32, #tpu.memory_space<vmem>>, %arg9: memref<64x1xf32, #tpu.memory_space<vmem>>, %arg10: memref<16x2000xf32, #tpu.memory_space<vmem>>, %arg11: memref<16x2000xf32, #tpu.memory_space<vmem>>, %arg12: memref<64x2000xf32, #tpu.memory_space<vmem>>, %arg13: memref<1280x1024xf32, #tpu.memory_space<vmem>>) attributes {dimension_semantics = [], scalar_prefetch = 0 : i64, scratch_operands = 1 : i64, tpu.core_type = #tpu.core_type<tc>} {
    %get3A = arith.constant 0 : index
    %get3A_0 = arith.constant 0 : index
    %get3A_1 = vector.load %arg0[%get3A, %get3A_0] : memref<1280x256xf32, #tpu.memory_space<vmem>>, vector<1280x256xf32>
    %get3A_2 = arith.constant 0 : index
    %get3A_3 = arith.constant 0 : index
    %get3A_4 = vector.load %arg1[%get3A_2, %get3A_3] : memref<256x1024xf32, #tpu.memory_space<vmem>>, vector<256x1024xf32>
    %dot_general3A = arith.constant dense<0.000000e+00> : vector<1280x1024xf32>
    %dot_general3A_5 = tpu.matmul %get3A_1, %get3A_4, %dot_general3A {dimension_numbers = #tpu.dot_dimension_numbers<[1], [0], [0], [1], [0, 0, 1, 1], [], []>, transpose_lhs_hint = false} : vector<1280x256xf32>, vector<256x1024xf32>, vector<1280x1024xf32> -> vector<1280x1024xf32>
    %swap3A = arith.constant 0 : index
    %swap3A_6 = arith.constant 0 : index
    %swap3A_7 = vector.load %arg13[%swap3A, %swap3A_6] : memref<1280x1024xf32, #tpu.memory_space<vmem>>, vector<1280x1024xf32>
    tpu.vector_store %arg13[%swap3A, %swap3A_6], %dot_general3A_5 {strides = array<i32>} : memref<1280x1024xf32, #tpu.memory_space<vmem>>, vector<1280x1024xf32>,
    %get3A_8 = arith.constant 0 : index
    %get3A_9 = arith.constant 0 : index
    %get3A_10 = vector.load %arg2[%get3A_8, %get3A_9] : memref<256x1024xf32, #tpu.memory_space<vmem>>, vector<256x1024xf32>
    %get3A_11 = arith.constant 0 : index
    %get3A_12 = arith.constant 0 : index
    %get3A_13 = vector.load %arg3[%get3A_11, %get3A_12] : memref<1x1024xf32, #tpu.memory_space<vmem>>, vector<1x1024xf32>
    %get3A_14 = arith.constant 0 : index
    %get3A_15 = arith.constant 0 : index
    %get3A_16 = vector.load %arg4[%get3A_14, %get3A_15] : memref<64x1xi32, #tpu.memory_space<vmem>>, vector<64x1xi32>
    %broadcast_in_dim3A = arith.constant 0.000000e+00 : f32
    %broadcast_in_dim3A_17 = vector.broadcast %broadcast_in_dim3A : f32 to vector<64x256xf32>
    %scan3A = arith.constant 0 : i32
    %scan3A_18 = arith.constant 20 : i32
    %scan3A_19 = arith.addi %scan3A, %scan3A_18 : i32
    %scan3A_20 = arith.constant 1 : i32
    %scan3A_21:3 = scf.for %scan3A_82 = %scan3A to %scan3A_19 step %scan3A_20 iter_args(%scan3A_83 = %broadcast_in_dim3A_17, %scan3A_84 = %broadcast_in_dim3A_17, %scan3A_85 = %broadcast_in_dim3A_17) -> (vector<64x256xf32>, vector<64x256xf32>, vector<64x256xf32>)  : i32 {
      %mul3A_86 = arith.constant 64 : i32
      %mul3A_87 = arith.muli %scan3A_82, %mul3A_86 : i32
      %get3A_88 = arith.index_cast %mul3A_87 : i32 to index
      %get3A_89 = arith.constant 0 : index
      %get3A_90 = vector.load %arg13[%get3A_88, %get3A_89] : memref<1280x1024xf32, #tpu.memory_space<vmem>>, vector<64x1024xf32>
      %dot_general3A_91 = arith.constant dense<0.000000e+00> : vector<64x1024xf32>
      %dot_general3A_92 = tpu.matmul %scan3A_83, %get3A_10, %dot_general3A_91 {dimension_numbers = #tpu.dot_dimension_numbers<[1], [0], [0], [1], [0, 0, 1, 1], [], []>, transpose_lhs_hint = false} : vector<64x256xf32>, vector<256x1024xf32>, vector<64x1024xf32> -> vector<64x1024xf32>
      %add3A_93 = arith.addf %get3A_90, %dot_general3A_92 : vector<64x1024xf32>
      %add3A_94 = vector.broadcast %get3A_13 : vector<1x1024xf32> to vector<64x1024xf32>
      %add3A_95 = arith.addf %add3A_93, %add3A_94 : vector<64x1024xf32>
      %slice3A = vector.extract_strided_slice %add3A_95 {offsets = [0, 0], sizes = [64, 256], strides = [1, 1]} : vector<64x1024xf32> to vector<64x256xf32>
      %logistic3A = arith.negf %slice3A : vector<64x256xf32>
      %logistic3A_96 = math.exp %logistic3A : vector<64x256xf32>
      %logistic3A_97 = arith.constant 1.000000e+00 : f32
      %logistic3A_98 = vector.broadcast %logistic3A_97 : f32 to vector<64x256xf32>
      %logistic3A_99 = arith.addf %logistic3A_98, %logistic3A_96 : vector<64x256xf32>
      %logistic3A_100 = arith.divf %logistic3A_98, %logistic3A_99 : vector<64x256xf32>
      %slice3A_101 = vector.extract_strided_slice %add3A_95 {offsets = [0, 256], sizes = [64, 256], strides = [1, 1]} : vector<64x1024xf32> to vector<64x256xf32>
      %logistic3A_102 = arith.negf %slice3A_101 : vector<64x256xf32>
      %logistic3A_103 = math.exp %logistic3A_102 : vector<64x256xf32>
      %logistic3A_104 = arith.constant 1.000000e+00 : f32
      %logistic3A_105 = vector.broadcast %logistic3A_104 : f32 to vector<64x256xf32>
      %logistic3A_106 = arith.addf %logistic3A_105, %logistic3A_103 : vector<64x256xf32>
      %logistic3A_107 = arith.divf %logistic3A_105, %logistic3A_106 : vector<64x256xf32>
      %slice3A_108 = vector.extract_strided_slice %add3A_95 {offsets = [0, 512], sizes = [64, 256], strides = [1, 1]} : vector<64x1024xf32> to vector<64x256xf32>
      %tanh3A = math.tanh %slice3A_108 : vector<64x256xf32>
      %slice3A_109 = vector.extract_strided_slice %add3A_95 {offsets = [0, 768], sizes = [64, 256], strides = [1, 1]} : vector<64x1024xf32> to vector<64x256xf32>
      %logistic3A_110 = arith.negf %slice3A_109 : vector<64x256xf32>
      %logistic3A_111 = math.exp %logistic3A_110 : vector<64x256xf32>
      %logistic3A_112 = arith.constant 1.000000e+00 : f32
      %logistic3A_113 = vector.broadcast %logistic3A_112 : f32 to vector<64x256xf32>
      %logistic3A_114 = arith.addf %logistic3A_113, %logistic3A_111 : vector<64x256xf32>
      %logistic3A_115 = arith.divf %logistic3A_113, %logistic3A_114 : vector<64x256xf32>
      %mul3A_116 = arith.mulf %logistic3A_107, %scan3A_84 : vector<64x256xf32>
      %mul3A_117 = arith.mulf %logistic3A_100, %tanh3A : vector<64x256xf32>
      %add3A_118 = arith.addf %mul3A_116, %mul3A_117 : vector<64x256xf32>
      %tanh3A_119 = math.tanh %add3A_118 : vector<64x256xf32>
      %mul3A_120 = arith.mulf %logistic3A_115, %tanh3A_119 : vector<64x256xf32>
      %eq3A_121 = vector.broadcast %scan3A_82 : i32 to vector<64x1xi32>
      %eq3A_122 = arith.cmpi eq, %get3A_16, %eq3A_121 : vector<64x1xi32>
      %convert_element_type3A_123 = arith.extui %eq3A_122 : vector<64x1xi1> to vector<64x1xi32>
      %convert_element_type3A_124 = arith.sitofp %convert_element_type3A_123 : vector<64x1xi32> to vector<64x1xf32>
      %mul3A_125 = vector.broadcast %convert_element_type3A_124 : vector<64x1xf32> to vector<64x256xf32>
      %mul3A_126 = arith.mulf %mul3A_125, %mul3A_120 : vector<64x256xf32>
      %add3A_127 = arith.addf %scan3A_85, %mul3A_126 : vector<64x256xf32>
      scf.yield %mul3A_120, %add3A_118, %add3A_127 : vector<64x256xf32>, vector<64x256xf32>, vector<64x256xf32>
    }
    %scan3A_22 = arith.constant 20 : i32
    %get3A_23 = arith.constant 0 : index
    %get3A_24 = arith.constant 0 : index
    %get3A_25 = vector.load %arg5[%get3A_23, %get3A_24] : memref<256x2000xf32, #tpu.memory_space<vmem>>, vector<256x2000xf32>
    %dot_general3A_26 = arith.constant dense<0.000000e+00> : vector<64x2000xf32>
    %dot_general3A_27 = tpu.matmul %scan3A_21#2, %get3A_25, %dot_general3A_26 {dimension_numbers = #tpu.dot_dimension_numbers<[1], [0], [0], [1], [0, 0, 1, 1], [], []>, transpose_lhs_hint = false} : vector<64x256xf32>, vector<256x2000xf32>, vector<64x2000xf32> -> vector<64x2000xf32>
    %get3A_28 = arith.constant 0 : index
    %get3A_29 = arith.constant 0 : index
    %get3A_30 = vector.load %arg6[%get3A_28, %get3A_29] : memref<1x2000xf32, #tpu.memory_space<vmem>>, vector<1x2000xf32>
    %add3A = vector.broadcast %get3A_30 : vector<1x2000xf32> to vector<64x2000xf32>
    %add3A_31 = arith.addf %dot_general3A_27, %add3A : vector<64x2000xf32>
    %reduce_max3A = arith.constant dense<0xFF800000> : vector<64xf32>
    %reduce_max3A_32 = vector.multi_reduction <maximumf>, %add3A_31, %reduce_max3A [1] : vector<64x2000xf32> to vector<64xf32>
    %broadcast_in_dim3A_33 = vector.shape_cast %reduce_max3A_32 : vector<64xf32> to vector<64x1xf32>
    %sub3A = vector.broadcast %broadcast_in_dim3A_33 : vector<64x1xf32> to vector<64x2000xf32>
    %sub3A_34 = arith.subf %add3A_31, %sub3A : vector<64x2000xf32>
    %exp3A = math.exp %sub3A_34 : vector<64x2000xf32>
    %reduce_sum3A = arith.constant dense<0.000000e+00> : vector<64xf32>
    %reduce_sum3A_35 = vector.multi_reduction <add>, %exp3A, %reduce_sum3A [1] : vector<64x2000xf32> to vector<64xf32>
    %broadcast_in_dim3A_36 = vector.shape_cast %reduce_sum3A_35 : vector<64xf32> to vector<64x1xf32>
    %div3A = vector.broadcast %broadcast_in_dim3A_36 : vector<64x1xf32> to vector<64x2000xf32>
    %div3A_37 = arith.divf %exp3A, %div3A : vector<64x2000xf32>
    %get3A_38 = arith.constant 0 : index
    %get3A_39 = arith.constant 0 : index
    %get3A_40 = vector.load %arg8[%get3A_38, %get3A_39] : memref<64x1xi32, #tpu.memory_space<vmem>>, vector<64x1xi32>
    %iota3A = tpu.iota {dimensions = array<i32: 1>} : vector<64x16xi32>
    %eq3A = vector.broadcast %get3A_40 : vector<64x1xi32> to vector<64x16xi32>
    %eq3A_41 = arith.cmpi eq, %eq3A, %iota3A : vector<64x16xi32>
    %convert_element_type3A = arith.extui %eq3A_41 : vector<64x16xi1> to vector<64x16xi32>
    %convert_element_type3A_42 = arith.sitofp %convert_element_type3A : vector<64x16xi32> to vector<64x16xf32>
    %get3A_43 = arith.constant 0 : index
    %get3A_44 = arith.constant 0 : index
    %get3A_45 = vector.load %arg9[%get3A_43, %get3A_44] : memref<64x1xf32, #tpu.memory_space<vmem>>, vector<64x1xf32>
    %mul3A = vector.broadcast %get3A_45 : vector<64x1xf32> to vector<64x16xf32>
    %mul3A_46 = arith.mulf %convert_element_type3A_42, %mul3A : vector<64x16xf32>
    %get3A_47 = arith.constant 0 : index
    %get3A_48 = arith.constant 0 : index
    %get3A_49 = vector.load %arg10[%get3A_47, %get3A_48] : memref<16x2000xf32, #tpu.memory_space<vmem>>, vector<16x2000xf32>
    %dot_general3A_50 = arith.constant dense<0.000000e+00> : vector<64x2000xf32>
    %dot_general3A_51 = tpu.matmul %mul3A_46, %get3A_49, %dot_general3A_50 {dimension_numbers = #tpu.dot_dimension_numbers<[1], [0], [0], [1], [0, 0, 1, 1], [], []>, transpose_lhs_hint = false} : vector<64x16xf32>, vector<16x2000xf32>, vector<64x2000xf32> -> vector<64x2000xf32>
    %sub3A_52 = arith.constant 1.000000e+00 : f32
    %sub3A_53 = vector.broadcast %sub3A_52 : f32 to vector<64x1xf32>
    %sub3A_54 = arith.subf %sub3A_53, %get3A_45 : vector<64x1xf32>
    %mul3A_55 = vector.broadcast %sub3A_54 : vector<64x1xf32> to vector<64x16xf32>
    %mul3A_56 = arith.mulf %convert_element_type3A_42, %mul3A_55 : vector<64x16xf32>
    %get3A_57 = arith.constant 0 : index
    %get3A_58 = arith.constant 0 : index
    %get3A_59 = vector.load %arg11[%get3A_57, %get3A_58] : memref<16x2000xf32, #tpu.memory_space<vmem>>, vector<16x2000xf32>
    %dot_general3A_60 = arith.constant dense<0.000000e+00> : vector<64x2000xf32>
    %dot_general3A_61 = tpu.matmul %mul3A_56, %get3A_59, %dot_general3A_60 {dimension_numbers = #tpu.dot_dimension_numbers<[1], [0], [0], [1], [0, 0, 1, 1], [], []>, transpose_lhs_hint = false} : vector<64x16xf32>, vector<16x2000xf32>, vector<64x2000xf32> -> vector<64x2000xf32>
    %add3A_62 = arith.addf %dot_general3A_51, %dot_general3A_61 : vector<64x2000xf32>
    %get3A_63 = arith.constant 0 : index
    %get3A_64 = arith.constant 0 : index
    %get3A_65 = vector.load %arg7[%get3A_63, %get3A_64] : memref<2000x64xf32, #tpu.memory_space<vmem>>, vector<2000x64xf32>
    %transpose3A = tpu.transpose %get3A_65, [1, 0] : vector<2000x64xf32> -> vector<64x2000xf32>
    %add3A_66 = arith.addf %transpose3A, %add3A_62 : vector<64x2000xf32>
    %reduce_max3A_67 = arith.constant dense<0xFF800000> : vector<64xf32>
    %reduce_max3A_68 = vector.multi_reduction <maximumf>, %add3A_66, %reduce_max3A_67 [1] : vector<64x2000xf32> to vector<64xf32>
    %broadcast_in_dim3A_69 = vector.shape_cast %reduce_max3A_68 : vector<64xf32> to vector<64x1xf32>
    %sub3A_70 = vector.broadcast %broadcast_in_dim3A_69 : vector<64x1xf32> to vector<64x2000xf32>
    %sub3A_71 = arith.subf %add3A_66, %sub3A_70 : vector<64x2000xf32>
    %exp3A_72 = math.exp %sub3A_71 : vector<64x2000xf32>
    %reduce_sum3A_73 = arith.constant dense<0.000000e+00> : vector<64xf32>
    %reduce_sum3A_74 = vector.multi_reduction <add>, %exp3A_72, %reduce_sum3A_73 [1] : vector<64x2000xf32> to vector<64xf32>
    %broadcast_in_dim3A_75 = vector.shape_cast %reduce_sum3A_74 : vector<64xf32> to vector<64x1xf32>
    %div3A_76 = vector.broadcast %broadcast_in_dim3A_75 : vector<64x1xf32> to vector<64x2000xf32>
    %div3A_77 = arith.divf %exp3A_72, %div3A_76 : vector<64x2000xf32>
    %mul3A_78 = arith.mulf %div3A_37, %div3A_77 : vector<64x2000xf32>
    %sqrt3A = math.sqrt %mul3A_78 : vector<64x2000xf32>
    %swap3A_79 = arith.constant 0 : index
    %swap3A_80 = arith.constant 0 : index
    %swap3A_81 = vector.load %arg12[%swap3A_79, %swap3A_80] : memref<64x2000xf32, #tpu.memory_space<vmem>>, vector<64x2000xf32>
    tpu.vector_store %arg12[%swap3A_79, %swap3A_80], %sqrt3A {strides = array<i32>} : memref<64x2000xf32, #tpu.memory_space<vmem>>, vector<64x2000xf32>,
    return
  }
}

</mosaic_0001>

<sc_bundles>
// kernel: kernel.6.cloned.1.call-start
scs
__scs_entry_jumppad:
0x0: {  	(pc) =	sbr.rel $0x88, $3  }
0x1: {  	(tag) =	ssettag $0x0;
	lr =	simm.s32 $0x1  }
0x2: {  	[smem:$0x3F8D] =	sst lr;
	_ =	strace $0xD0000000  }
0x3: {  	_ = 	snop  }
0x4: {  	_ = 	snop  }
0x5: {  	_ = 	snop  }
0x6: {  	_ = 	snop  }
0x7: {  	_ = 	snop  }
__scs_overlays_trampoline_lowered:
0x8: {  	[smem:$0x3F9C] =	sst s0  }
0x9: {  	[smem:$0x3F9D] =	sst s1  }
0xa: {  	[smem:$0x3F9E] =	sst s2  }
0xb: {  	[smem:$0x3F9F] =	sst s3  }
0xc: {  	[smem:$0x3FA0] =	sst s4  }
0xd: {  	[smem:$0x3FA1] =	sst s5  }
0xe: {  	[smem:$0x3FA2] =	sst s6  }
0xf: {  	[smem:$0x3FA3] =	sst s7  }
0x10: {  	[smem:$0x3FA4] =	sst s8  }
0x11: {  	[smem:$0x3FA5] =	sst s9;
	s0 =	simm.s32 @!p0 $0x0  }
0x12: {  	s1 =	sld [smem:$0x3F8B];
	s0 =	simm.s32 @p0 $0x1  }
0x13: {  	[smem:$0x3FA6] =	sst s0;
	s0 =	simm.s32 @!p1 $0x0  }
0x14: {  	s2 =	sld [smem:$0x3F8A];
	s0 =	simm.s32 @p1 $0x1  }
0x15: {  	[smem:$0x3FA7] =	sst s0;
	s0 =	simm.s32 @!p2 $0x0  }
0x16: {  	s3 =	sld [smem:$0x3FDB];
	s0 =	simm.s32 @p2 $0x1  }
0x17: {  	s4 =	simm.s32 $0x1BF5;
	[smem:$0x3FA9] =	sst s0  }
0x18: {  	s0 =	sld [smem:$0x3F8C];
	_ =	swait.ge [sflag:s4], $0x0  }
0x19: {  	s7 =	sld [smem:$0x3F8D]  }
0x1a: {  	s8 =	sadd.s32 $0xFFFFE003, lr  }
0x1b: {  	s9 =	sadd.s32 $0xFFFFFEF7, lr;
	s5 =	simm.s32 $0xFFFFFFFF;
	p2 =	slt.u32 s8, $0xFFFFF086  }
0x1c: {  	p1 =	slt.u32 s9, $0xF7A;
	s5 =	simm.s32 @!p2 $0x0  }
0x1d: {  	s5 =	simm.s32 @p1 $0x1;
	p0 =	seq.s32 s7, s2  }
0x1e: {  	s7 =	smul.u32 @!p0 $0xF7A, s2;
	p2 =	seq.s32 @!p0 s5, $0x0  }
0x1f: {  	s9 =	smul.u32 $0xF7A, s1;
	s8 =	simm.s32 @!p0 $0x1BF5;
	p2 =	por !p2, p0  }
0x20: {  	[sflag:s8] =	ssyncset.s32 @!p0 $0xFFFFF086;
	s6 =	sadd.s32 @!p0 s3, s7;
	s7 =	simm.s32 @!p0 $0x108  }
0x21: {  	s3 =	sadd.s32 s3, s9;
	s6 =	sadd.s32 @!p0 $0x88, s6;
	s7 =	simm.s32 @p2 $0x1082  }
0x22: {  	[simem:s7], [sflag:s8] =	dma.local @!p0 [hbm:s6], $0xF7A  }
0x23: {  	s9 =	sor.u32 $0xD0000000, s2;
	s6 =	simm.s32 $0x108;
	_ =	swait.ge @!p0 [sflag:s8], $0x0  }
0x24: {  	s3 =	sadd.s32 $0x88, s3;
	s6 =	simm.s32 @!p1 $0x1082;
	[sflag:s4] =	ssyncset.s32 $0xFFFFF086  }
0x25: {  	[simem:s6], [sflag:s4] =	dma.local [hbm:s3], $0xF7A  }
0x26: {  	[smem:$0x3F8D] =	sst s1;
	(tag) =	ssettag s2;
	_ =	strace s9  }
0x27: {  	s1 =	sld [smem:$0x3F9D]  }
0x28: {  	s2 =	sld [smem:$0x3F9E]  }
0x29: {  	s4 =	sld [smem:$0x3FA0]  }
0x2a: {  	p0 =	seq.s32 s5, $0x0;
	s5 =	sld [smem:$0x3FA1]  }
0x2b: {  	s6 =	sld [smem:$0x3FA2]  }
0x2c: {  	s7 =	sld [smem:$0x3FA3]  }
0x2d: {  	s3 =	simm.s32 $0x108;
	s8 =	sld [smem:$0x3FA4]  }
0x2e: {  	s3 =	simm.s32 @!p0 $0x1082;
	s9 =	sld [smem:$0x3FA5]  }
0x2f: {  	lr =	sadd.s32 s0, s3;
	s0 =	sld [smem:$0x3F9C]  }
0x30: {  	s3 =	sld [smem:$0x3F9F]  }
0x31: {  	[smem:$0x3FA8] =	sst s10  }
0x32: {  	s10 =	sld [smem:$0x3FA6];
	_ =	sdelay $0x3  }
0x33: {  	p0 =	seq.s32 s10, $0x1;
	s10 =	sld [smem:$0x3FA8];
	_ =	sdelay $0x3  }
0x34: {  	[smem:$0x3FA8] =	sst s10  }
0x35: {  	s10 =	sld [smem:$0x3FA7];
	_ =	sdelay $0x3  }
0x36: {  	p1 =	seq.s32 s10, $0x1;
	s10 =	sld [smem:$0x3FA8];
	_ =	sdelay $0x3  }
0x37: {  	[smem:$0x3FA8] =	sst s10  }
0x38: {  	s10 =	sld [smem:$0x3FA9]  }
0x39: {  	_ = 	snop;
	(pc) =	sbr.ind lr, $3  }
0x3a: {  	_ = 	snop  }
0x3b: {  	_ = 	snop  }
0x3c: {  	p2 =	seq.s32 s10, $0x1;
	s10 =	sld [smem:$0x3FA8]  }
0x3d: {  	_ =	shalt  }
0x3e: {  	_ =	shalt  }
0x3f: {  	_ =	shalt  }
0x40: {  	_ =	shalt  }
0x41: {  	_ =	shalt  }
0x42: {  	_ =	shalt  }
0x43: {  	_ =	shalt  }
0x44: {  	_ =	shalt  }
0x45: {  	_ =	shalt  }
0x46: {  	_ =	shalt  }
0x47: {  	_ =	shalt  }
0x48: {  	_ =	shalt  }
0x49: {  	_ =	shalt  }
0x4a: {  	_ =	shalt  }
0x4b: {  	_ =	shalt  }
0x4c: {  	_ =	shalt  }
0x4d: {  	_ =	shalt  }
0x4e: {  	_ =	shalt  }
0x4f: {  	_ =	shalt  }
0x50: {  	_ =	shalt  }
0x51: {  	_ =	shalt  }
0x52: {  	_ =	shalt  }
0x53: {  	_ =	shalt  }
0x54: {  	_ =	shalt  }
0x55: {  	_ =	shalt  }
0x56: {  	_ =	shalt  }
0x57: {  	_ =	shalt  }
0x58: {  	_ =	shalt  }
0x59: {  	_ =	shalt  }
0x5a: {  	_ =	shalt  }
0x5b: {  	_ =	shalt  }
0x5c: {  	_ =	shalt  }
0x5d: {  	_ =	shalt  }
0x5e: {  	_ =	shalt  }
0x5f: {  	_ =	shalt  }
0x60: {  	_ =	shalt  }
0x61: {  	_ =	shalt  }
0x62: {  	_ =	shalt  }
0x63: {  	_ =	shalt  }
0x64: {  	_ =	shalt  }
0x65: {  	_ =	shalt  }
0x66: {  	_ =	shalt  }
0x67: {  	_ =	shalt  }
0x68: {  	_ =	shalt  }
0x69: {  	_ =	shalt  }
0x6a: {  	_ =	shalt  }
0x6b: {  	_ =	shalt  }
0x6c: {  	_ =	shalt  }
0x6d: {  	_ =	shalt  }
0x6e: {  	_ =	shalt  }
0x6f: {  	_ =	shalt  }
0x70: {  	_ =	shalt  }
0x71: {  	_ =	shalt  }
0x72: {  	_ =	shalt  }
0x73: {  	_ =	shalt  }
0x74: {  	_ =	shalt  }
0x75: {  	_ =	shalt  }
0x76: {  	_ =	shalt  }
0x77: {  	_ =	shalt  }
0x78: {  	_ =	shalt  }
0x79: {  	_ =	shalt  }
0x7a: {  	_ =	shalt  }
0x7b: {  	_ =	shalt  }
0x7c: {  	_ =	shalt  }
0x7d: {  	_ =	shalt  }
0x7e: {  	_ =	shalt  }
0x7f: {  	_ =	shalt  }
0x80: {  	_ =	shalt  }
0x81: {  	_ =	shalt  }
0x82: {  	_ =	shalt  }
0x83: {  	_ =	shalt  }
0x84: {  	_ =	shalt  }
0x85: {  	_ =	shalt  }
0x86: {  	_ =	shalt  }
0x87: {  	_ =	shalt  }
.Lfunc_end0:
.L_simem_size_0:
called_computation_lowered:
.L_overlay_start_0:
0x88: {  	s2 =	sld [smem:$0x3FD9]  }
0x89: {  	s3 =	sld [smem:$0x3FFE];
	_ =	sdelay $0x1  }
0x8a: {  	s1 =	srdreg.scid  }
0x8b: {  	s0 =	sand.u32 $0x1, s1  }
0x8c: {  	s17 =	sshll.u32 s0, $0xA;
	s2 =	sadd.s32 s3, s2  }
0x8d: {  	s2 =	sadd.s32 s2, s17  }
0x8e: {  	[smem:$0x3FB4] =	sst s2  }
0x8f: {  	_ = 	snop  }
0x90: {  	s2 =	sld [smem:$0x3FBB]  }
0x91: {  	s18 =	sld [smem:$0x3FD0];
	(tm) =	ssettm $0x1  }
0x92: {  	s4 =	sld [smem:$0x3FFB];
	_ =	sdelay $0x3  }
0x93: {  	_ =	strace s4  }
0x94: {  	s4 =	sld [smem:$0x3FFC];
	_ =	sdelay $0x3  }
0x95: {  	_ =	strace s4  }
0x96: {  	s4 =	sld [smem:$0x3FFD];
	_ =	sdelay $0x3  }
0x97: {  	_ =	strace s4  }
0x98: {  	_ =	strace $0x8FFFFFFF  }
0x99: {  	s19 =	sld [smem:$0x3FDB];
	_ =	sdelay $0x1  }
0x9a: {  	s5 =	simm.s32 $_scs_section_size  }
0x9b: {  	s6 =	simm.s32 $_size__tile_overlayer_lowered;
	s7 =	simm.s32 $_tile_overlayer_lowered  }
0x9c: {  	s22 =	simm.s32 $0x1BFF;
	s21 =	sshll.u32 s7, $0x1;
	s4 =	sadd.s32 s5, s19  }
0x9d: {  	s8 =	simm.s32 $0x0;
	s20 =	sshll.u32 s6, $0x1;
	s6 =	sadd.s32 s21, s4  }
0x9e: {  	[timem:s8], [sflag:s22] =	dma.local [hbm:s6], s20  }
0x9f: {  	_ =	swait.ge [sflag:s22], s20  }
0xa0: {  	s5 =	ssub.s32 $0x0, s20;
	[sflag:s22] =	ssyncset.done $0x0  }
0xa1: {  	[sflag:s22] =	ssyncadd.s32 s5;
	_ =	sdelay $0x1  }
0xa2: {  	s23 =	simm.s32 $0x1B8B  }
0xa3: {  	_ =	swait.ge [sflag:s23], $0x1  }
0xa4: {  	[sflag:s23] =	ssyncset.done $0x0  }
0xa5: {  	s25 =	simm.s32 $0x1B8E;
	s24 =	sld [smem:$0x3FFE];
	[sflag:s23] =	ssyncadd.s32 $0xFFFFFFFF  }
0xa6: {  	s26 =	simm.s32 $execute0_lowered;
	[smem:$0x3FD2] =	sst s25  }
0xa7: {  	s6 =	sshll.u32 s26, $0x1;
	_ =	strace $0x80000046;
	[dreg:$0x1] =	wrdreg $0xFFFFFFFF  }
0xa8: {  	s28 =	simm.s32 $_size_execute0_lowered;
	s4 =	sadd.s32 s4, s6;
	[dreg:$0x0] =	wrdreg $0x0  }
0xa9: {  	s6 =	sshll.u32 s28, $0x1;
	[dreg:$0x2] =	wrdreg s4  }
0xaa: {  	[dreg:$0x3] =	wrdreg s6  }
0xab: {  	[dreg:$0x4] =	wrdreg $0xC0  }
0xac: {  	_ =	task [dreg:s8], $0x5FFFF  }
0xad: {  	[dreg:$0x1] =	wrdreg $0xFFFFFFFF  }
0xae: {  	[dreg:$0x0] =	wrdreg $0x60  }
0xaf: {  	[dreg:$0x2] =	wrdreg s2  }
0xb0: {  	[dreg:$0x3] =	wrdreg s18  }
0xb1: {  	[dreg:$0x4] =	wrdreg s24  }
0xb2: {  	[dreg:$0x5] =	wrdreg $0x9  }
0xb3: {  	_ =	task.clear_ibuf [dreg:s8], $0x6FFFF;
	_ =	strace $0x90000046  }
0xb4: {  	s29 =	simm.s32 $0x9;
	_ =	strace $0x80000048  }
0xb5: {  	_ =	swait.ge [sflag:s29], $0x1  }
0xb6: {  	[sflag:s29] =	ssyncadd.s32 $0xFFFFFFFF  }
0xb7: {  	_ =	strace $0x90000048  }
0xb8: {  	_ =	sfence  }
0xb9: {  	s30 =	sld [smem:$0x0];
	_ =	sdelay $0x2  }
0xba: {  	s31 =	sshll.u32 s1, $0xD;
	s1 =	sshrl.u32 s1, $0x2  }
0xbb: {  	s3 =	sand.u32 $0x4000, s31;
	s1 =	sadd.s32 s1, s30  }
0xbc: {  	s0 =	sor.u32 s3, s0;
	s1 =	sshll.u32 s1, $0x11  }
0xbd: {  	s0 =	sor.u32 s1, s0  }
0xbe: {  	s0 =	sadd.s32 $0x8F2B, s0  }
0xbf: {  	[sflag:s0] =	ssyncadd.remote.s32 $0x1  }
0xc0: {  	_ =	sfence.sel $0xFFFF  }
0xc1: {  	[dreg:$0x0] =	wrdreg $0xFFFFFFFF;
	(pc) =	sbr.abs _section_cstart, $3  }
0xc2: {  	[dreg:$0x1] =	wrdreg $0xFFFFFFFF  }
0xc3: {  	_ =	task.clear_ibuf [dreg:s8], $0x2FFFF;
	_ =	strace $0x9FFFFFFF  }
0xc4: {  	(tm) =	ssettm $0x7FFFFFFF  }
0xc5: {  	_ =	shalt  }
tec
execute0_lowered:
.L_overlay_start_1:
0x0: {  	(tag) =	ssettag $0x1  }
0x1: {  	s1 =	rddreg [dreg:$0x0];
	s2 =	srdreg.scid  }
0x2: {  	s0 =	stileid.u32;
	s4 =	rddreg [dreg:$0x1]  }
0x3: {  	s6 =	rddreg [dreg:$0x2];
	s3 =	simm.s32 $0x0;
	s10 =	simm.s32 $0x1080  }
0x4: {  	s11 =	simm.s32 $0x1880;
	s5 =	sand.u32 $0x1, s2;
	s30 =	sshll.u32 s0, $0x1  }
0x5: {  	s12 =	simm.s32 $0x2080;
	s13 =	simm.s32 $0x1;
	s7 =	sor.u32 s5, s30  }
0x6: {  	s2 =	rddreg [dreg:$0x3];
	s5 =	ssub.s32 $0x2, s5;
	s8 =	smul.u32 $0x500, s7  }
0x7: {  	[smem:$0x7FF] =	sst s3;
	s7 =	smul.u32 $0x5, s7;
	s9 =	sshrl.u32 s5, $0x1  }
0x8: {  	v2 =	vlaneseq.u32;
	_ =	strace $0x80000047;
	s31 =	ssub.s32 s5, s9;
	s9 =	simm.s32 $0x880  }
0x9: {  	vm0 =	vmmov $0xffff;
	v1 =	vshrl.u32 v2, $0x3;
	s6 =	sadd.s32 s8, s6;
	s4 =	sadd.s32 s4, s7;
	s7 =	simm.s32 $0x2  }
0xa: {  	v0 =	vand.u32 $0x7, v2;
	v2 =	vor.u32 $0x8, v2;
	v1 =	vmul.u32 $0x8, v1;
	s8 =	simm.s32 $0x80;
	s5 =	sadd.s32 $0x2A00, s6;
	s6 =	smax.u32 s31, $0x1  }
.LBB2_1:
0xb: {  	[tilespmem:s3], [sflag:$0x2] =	stream.linear.gather [hbm4b:s4+s3], $0x28, $0x38;
	[tilespmem:$0x2880] =	vst v63  }
0xc: {  	_ =	swait.ge [sflag:s7], $0x28  }
0xd: {  	[sflag:s7] =	ssyncset.done $0x0  }
0xe: {  	[sflag:s7] =	ssyncadd.s32 $0xFFFFFFD8  }
0xf: {  	v3 =	vld [tilespmem:$0x0];
	_ =	sdelay $0x4  }
0x10: {  	v4 =	vshll.u32 v3, $0x1  }
0x11: {  	v3 =	vand.u32 $0x7, v3;
	v4 =	vand.u32 $0xFFFFFFF0, v4  }
0x12: {  	v3 =	vor.u32 v3, v4  }
0x13: {  	v4 =	vperm.xlane v3, v0;
	_ =	sdelay $0x1  }
0x14: {  	v3 =	vperm.xlane v3, v2;
	v4 =	vadd.s32 v1, v4;
	_ =	sdelay $0x1  }
0x15: {  	v3 =	vadd.s32 v1, v3;
	_ =	sdelay $0x2  }
0x16: {  	[tilespmem:s8], [sflag:$0x1] =	stream.indirect_vreg.gather [hbm4b:s1+s3], $0x80, v4, vm0, $0xb8;
	[tilespmem:$0x2880] =	vst v63  }
0x17: {  	_ = 	snop  }
0x18: {  	[tilespmem:s9], [sflag:$0x1] =	stream.indirect_vreg.gather [hbm4b:s1+s3], $0x80, v3, vm0, $0xb8;
	[tilespmem:$0x2880] =	vst v63  }
0x19: {  	v3 =	vld [tilespmem:$0x10];
	_ =	sdelay $0x4  }
0x1a: {  	v62 =	vshll.u32 v3, $0x1  }
0x1b: {  	v3 =	vand.u32 $0x7, v3;
	v4 =	vand.u32 $0xFFFFFFF0, v62  }
0x1c: {  	v3 =	vor.u32 v3, v4  }
0x1d: {  	v4 =	vperm.xlane v3, v0;
	_ =	sdelay $0x1  }
0x1e: {  	v3 =	vperm.xlane v3, v2;
	v4 =	vadd.s32 v1, v4;
	_ =	sdelay $0x1  }
0x1f: {  	v3 =	vadd.s32 v1, v3;
	_ =	sdelay $0x2  }
0x20: {  	[tilespmem:s10], [sflag:$0x1] =	stream.indirect_vreg.gather [hbm4b:s1+s3], $0x80, v4, vm0, $0xb8;
	[tilespmem:$0x2880] =	vst v63  }
0x21: {  	_ = 	snop  }
0x22: {  	[tilespmem:s11], [sflag:$0x1] =	stream.indirect_vreg.gather [hbm4b:s1+s3], $0x80, v3, vm0, $0xb8;
	[tilespmem:$0x2880] =	vst v63  }
0x23: {  	v3 =	vld.msk [tilespmem:$0x20], $0xff;
	_ =	sdelay $0x4  }
0x24: {  	v63 =	vshll.u32 v3, $0x1  }
0x25: {  	v3 =	vand.u32 $0x7, v3;
	v4 =	vand.u32 $0xFFFFFFF0, v63  }
0x26: {  	v3 =	vor.u32 v3, v4  }
0x27: {  	v3 =	vperm.xlane v3, v0;
	_ =	sdelay $0x1  }
0x28: {  	v3 =	vadd.s32 v1, v3;
	_ =	sdelay $0x4  }
0x29: {  	[tilespmem:s12], [sflag:$0x1] =	stream.indirect_vreg.gather [hbm4b:s1+s3], $0x80, v3, vm0, $0xb8;
	[tilespmem:$0x2880] =	vst v63  }
0x2a: {  	_ =	swait.ge [sflag:s13], $0x2800  }
0x2b: {  	p0 =	sne.s32 s6, $0x1;
	[sflag:s13] =	ssyncset.done $0x0  }
.Ltmp0:
0x2c: {  	[sflag:s13] =	ssyncadd.s32 $0xFFFFD800;
	(pc) =	sbr.rel @p0 .LBB2_1-.Ltmp0, $4  }
0x2d: {  	[hbm4b:s5+s3] =	stream.linear.scatter [tilespmem:s8], [sflag:$0x2], $0x2800, $0x38;
	[tilespmem:$0x2880] =	vst v63  }
0x2e: {  	_ =	swait.ge [sflag:s7], $0x2800  }
0x2f: {  	[sflag:s7] =	ssyncset.done $0x0  }
0x30: {  	s6 =	sadd.s32 $0xFFFFFFFF, s6;
	[sflag:s7] =	ssyncadd.s32 $0xFFFFD800  }
0x31: {  	_ =	sfence.sel $0x180000  }
0x32: {  	[bflag:$0x0] =	sbarrier.arrive $0xFFFF  }
0x33: {  	p0 =	sne.s32 s0, $0x0;
	_ =	strace $0x90000047  }
0x34: {  	s0 =	sadd.s32 @!p0 $0x100000, s2;
	[bflag:$0x2] =	sbarrier.arrive $0xFFFF  }
0x35: {  	[sflag:s0] =	ssyncadd.tile.s32 @!p0 $0x1;
	_ =	shalt  }
.Lfunc_end2:
_tile_overlayer_lowered:
.L_overlay_start_2:
0x36: {  	(tag) =	ssettag $0x2  }
0x37: {  	s0 =	rddreg [dreg:$0x0];
	s2 =	stileid.u32  }
0x38: {  	s1 =	rddreg [dreg:$0x1];
	p0 =	sne.s32 s2, $0x0  }
0x39: {  	s3 =	rddreg [dreg:$0x2];
	[bflag:$0x3] =	sbarrier.arrive $0xFFFF;
	s2 =	simm.s32 @!p0 $0x1C02  }
0x3a: {  	[timem:s3], [sflag:s2] =	dma.local @!p0 [hbm:s0], s1  }
0x3b: {  	s0 =	simm.s32 @!p0 $0x2  }
0x3c: {  	_ =	swait.ge @!p0 [sflag:s0], s1  }
0x3d: {  	s1 =	ssub.s32 @!p0 $0x0, s1;
	[sflag:s0] =	ssyncset.done @!p0 $0x0  }
0x3e: {  	[sflag:s0] =	ssyncadd.s32 @!p0 s1  }
0x3f: {  	[bflag:$0x3] =	sbarrier.arrive $0xFFFF  }
0x40: {  	_ =	shalt  }

</sc_bundles>
